<compile_context>
chip_gen: v7x
topology: tpu7x:2x2x1
jax: 0.10.2.dev20260603
libtpu: 0.0.44.dev20260713+nightly
codegen_flags: <defaults>
</compile_context>

<pallas_src>
import functools

import jax
import jax.numpy as jnp
from jax import lax
from jax.experimental import pallas as pl
from jax.experimental.pallas import tpu as pltpu
from jax.experimental.pallas import tpu_sc as plsc

NW = 32
NC = 2
TM = 128


def _sc_gather_rows(x, idx_3d, P, D, C):
    nch = idx_3d.shape[1]

    @functools.partial(
        pl.kernel,
        mesh=plsc.VectorSubcoreMesh(core_axis_name="c", subcore_axis_name="s"),
        out_type=jax.ShapeDtypeStruct((P, D), x.dtype),
        scratch_types=[
            pltpu.VMEM((nch, C), jnp.int32),
            pltpu.VMEM((C, D), x.dtype),
            pltpu.VMEM((C, D), x.dtype),
            pltpu.SemaphoreType.DMA,
            pltpu.SemaphoreType.DMA,
            pltpu.SemaphoreType.DMA,
            pltpu.SemaphoreType.DMA,
        ],
    )
    def k(x_hbm, idx_hbm, out_hbm, idx_v, buf0, buf1, g0, g1, s0, s1):
        wid = lax.axis_index("s") * NC + lax.axis_index("c")
        pltpu.sync_copy(idx_hbm.at[wid], idx_v)
        per_w = nch * C
        base = wid * per_w
        bufs, gsems, ssems = (buf0, buf1), (g0, g1), (s0, s1)

        def gath(c, b):
            pltpu.async_copy(x_hbm.at[idx_v.at[c]], bufs[b], gsems[b])

        def wait_g(c, b):
            pltpu.make_async_copy(
                x_hbm.at[idx_v.at[c]], bufs[b], gsems[b]).wait()

        def stor(c, b):
            pltpu.async_copy(
                bufs[b], out_hbm.at[pl.ds(base + c * C, C)], ssems[b])

        def wait_s(b):
            pltpu.make_async_copy(
                bufs[b], out_hbm.at[pl.ds(base, C)], ssems[b]).wait()

        gath(0, 0)
        half = nch // 2

        def body(g, _):
            c = 2 * g

            @pl.when(g >= 1)
            def _():
                wait_s(1)

            gath(c + 1, 1)
            wait_g(c, 0)
            stor(c, 0)

            @pl.when(g < half - 1)
            def _():
                wait_s(0)
                gath(c + 2, 0)

            wait_g(c + 1, 1)
            stor(c + 1, 1)
            return 0

        lax.fori_loop(0, half, body, 0)
        wait_s(0)
        wait_s(1)

    return k(x, idx_3d)


def _sc_combine(cat, pos_3d, T, D, CT):
    nch = pos_3d.shape[1]
    L = 16

    @functools.partial(
        pl.kernel,
        mesh=plsc.VectorSubcoreMesh(core_axis_name="c", subcore_axis_name="s"),
        out_type=jax.ShapeDtypeStruct((T, D), cat.dtype),
        scratch_types=[
            pltpu.VMEM((nch, 2 * CT), jnp.int32),
            pltpu.VMEM((2 * CT, D), cat.dtype),
            pltpu.VMEM((2 * CT, D), cat.dtype),
            pltpu.VMEM((CT, D), cat.dtype),
            pltpu.VMEM((CT, D), cat.dtype),
            pltpu.SemaphoreType.DMA,
            pltpu.SemaphoreType.DMA,
            pltpu.SemaphoreType.DMA,
            pltpu.SemaphoreType.DMA,
        ],
    )
    def k(cat_hbm, pos_hbm, y_hbm, idx_v, r0, r1, o0, o1, g0, g1, s0, s1):
        wid = lax.axis_index("s") * NC + lax.axis_index("c")
        pltpu.sync_copy(pos_hbm.at[wid], idx_v)
        tw = nch * CT
        base = wid * tw
        rbufs, obufs, gsems, ssems = (r0, r1), (o0, o1), (g0, g1), (s0, s1)

        def gath(c, b):
            pltpu.async_copy(cat_hbm.at[idx_v.at[c]], rbufs[b], gsems[b])

        def wait_g(c, b):
            pltpu.make_async_copy(
                cat_hbm.at[idx_v.at[c]], rbufs[b], gsems[b]).wait()

        def stor(c, b):
            pltpu.async_copy(
                obufs[b], y_hbm.at[pl.ds(base + c * CT, CT)], ssems[b])

        def wait_s(b):
            pltpu.make_async_copy(
                obufs[b], y_hbm.at[pl.ds(base, CT)], ssems[b]).wait()

        def compute(b):
            rows, out_v = rbufs[b], obufs[b]

            def vbody(v, _):
                sl = pl.ds(v * L, L)
                for j in range(CT):
                    out_v[j, sl] = rows[2 * j, sl] + rows[2 * j + 1, sl]
                return 0

            lax.fori_loop(0, D // L, vbody, 0)

        gath(0, 0)
        half = nch // 2

        def body(g, _):
            c = 2 * g
            gath(c + 1, 1)
            wait_g(c, 0)

            @pl.when(g >= 1)
            def _():
                wait_s(0)

            compute(0)
            stor(c, 0)

            @pl.when(g < half - 1)
            def _():
                gath(c + 2, 0)

            wait_g(c + 1, 1)

            @pl.when(g >= 1)
            def _():
                wait_s(1)

            compute(1)
            stor(c + 1, 1)
            return 0

        lax.fori_loop(0, half, body, 0)
        wait_s(0)
        wait_s(1)

    return k(cat, pos_3d)


def _tc_glu_body(te_ref, nu_ref, xs_ref, wg_ref, wu_ref, wd_ref, s_ref,
                 out_ref):
    t = pl.program_id(0)

    @pl.when(t < nu_ref[0])
    def _run():
        xt = xs_ref[...]
        dn = (((1,), (1,)), ((), ()))
        a = lax.dot_general(xt, wg_ref[0], dn,
                            preferred_element_type=jnp.float32)
        b = lax.dot_general(xt, wu_ref[0], dn,
                            preferred_element_type=jnp.float32)
        h = (a * lax.logistic(a)) * b
        o = lax.dot_general(h, wd_ref[0], dn,
                            preferred_element_type=jnp.float32)
        sv = s_ref[0, 0, :]
        out_ref[...] = o * sv[:, None]


def kernel(x, topK_indices, topK_scores, Wg, Wu, Wd):
    T, D = x.shape
    TOPK = topK_indices.shape[1]
    E, HE, _ = Wg.shape
    N = T * TOPK
    NT = (N + E * TM) // TM
    P = NT * TM

    e = topK_indices.reshape(-1).astype(jnp.int32)
    s = topK_scores.reshape(-1)
    onehot = (e[:, None] == jnp.arange(E, dtype=jnp.int32)[None, :]).astype(
        jnp.int32)
    csum = jnp.cumsum(onehot, axis=0)
    counts = csum[-1]
    padded = ((counts + TM - 1) // TM) * TM
    p_start = (jnp.cumsum(padded) - padded).astype(jnp.int32)
    pos = jnp.sum(onehot * (csum + p_start[None, :]), axis=1) - 1
    tok = jnp.arange(N, dtype=jnp.int32) // TOPK
    src_token = (jnp.arange(P, dtype=jnp.int32) % T).at[pos].set(tok)
    pad_scores = jnp.zeros((P,), x.dtype).at[pos].set(s)
    bases = jnp.arange(NT, dtype=jnp.int32) * TM
    tile_expert = jnp.clip(
        jnp.sum((p_start[None, :] <= bases[:, None]).astype(jnp.int32),
                axis=1) - 1, 0, E - 1).astype(jnp.int32)

    C = 16
    xs = _sc_gather_rows(x, src_token.reshape(NW, P // (NW * C), C), P, D, C)

    n_used = ((jnp.sum(padded) + TM - 1) // TM).astype(jnp.int32).reshape(1)
    grid_spec = pltpu.PrefetchScalarGridSpec(
        num_scalar_prefetch=2,
        grid=(NT,),
        in_specs=[
            pl.BlockSpec((TM, D), lambda t, te, nu: (t, 0)),
            pl.BlockSpec((1, HE, D), lambda t, te, nu: (te[t], 0, 0)),
            pl.BlockSpec((1, HE, D), lambda t, te, nu: (te[t], 0, 0)),
            pl.BlockSpec((1, D, HE), lambda t, te, nu: (te[t], 0, 0)),
            pl.BlockSpec((1, 1, TM), lambda t, te, nu: (t, 0, 0)),
        ],
        out_specs=pl.BlockSpec((TM, D), lambda t, te, nu: (t, 0)),
    )
    cat = pl.pallas_call(
        _tc_glu_body,
        grid_spec=grid_spec,
        out_shape=jax.ShapeDtypeStruct((P, D), jnp.float32),
    )(tile_expert, n_used, xs, Wg, Wu, Wd, pad_scores.reshape(NT, 1, TM))

    CT = 8
    pos_by_tok = pos.reshape(T, TOPK)
    pos_3d = pos_by_tok.reshape(NW, T // (NW * CT), CT * TOPK)
    y = _sc_combine(cat, pos_3d, T, D, CT)
    return y

# --- scband reference (transcript-rebuilt; emitter-appended) ---
"""Pipeline reference for scband-universal-calculator-15307263443373 (READ-ONLY COPY).

The authoritative reference and input builder live on the scoring server;
editing this copy changes nothing except your own understanding.
"""

import jax, jax.numpy as jnp
import numpy as np

E = 16
TOPK = 2
D = 2048
HE = 512  # hidden_features 8192 / 16 experts
SCALE = 1.0
T = 8192


def setup_inputs(seed: int = 0) -> dict:
    key = jax.random.key(seed)
    ks = jax.random.split(key, 6)
    x = jax.random.normal(ks[0], (T, D), dtype=jnp.float32)
    topK_indices = jax.random.randint(ks[1], (T, TOPK), 0, E, dtype=jnp.int32)
    topK_scores = jax.random.uniform(ks[2], (T, TOPK), dtype=jnp.float32)
    Wg = jax.random.normal(ks[3], (E, HE, D), dtype=jnp.float32) * 0.02
    Wu = jax.random.normal(ks[4], (E, HE, D), dtype=jnp.float32) * 0.02
    Wd = jax.random.normal(ks[5], (E, D, HE), dtype=jnp.float32) * 0.02
    return {"x": x, "topK_indices": topK_indices, "topK_scores": topK_scores, "Wg": Wg, "Wu": Wu, "Wd": Wd}


def reference(x, topK_indices, topK_scores, Wg, Wu, Wd):
    batch_size = x.shape[0]
    num_selects = topK_indices.shape[1]
    flat_idx = topK_indices.reshape(-1)
    flat_scores = topK_scores.reshape(-1)
    batch_indices = jnp.repeat(jnp.arange(batch_size), num_selects)
    order = jnp.argsort(flat_idx, stable=True)
    sorted_scores = flat_scores[order]
    sorted_batch = batch_indices[order]
    sorted_idx = flat_idx[order]
    sorted_x = x[sorted_batch]
    cat = jnp.zeros((batch_size * num_selects, D), dtype=x.dtype)
    for i in range(E):
        h = jax.nn.silu(sorted_x @ Wg[i].T) * (sorted_x @ Wu[i].T)
        out_i = h @ Wd[i].T
        cat = jnp.where((sorted_idx == i)[:, None], out_i, cat)
    cat = cat * (sorted_scores[:, None] * SCALE)
    y = jnp.zeros((batch_size, D), dtype=cat.dtype).at[sorted_batch].add(cat)
    return y

if __name__ == "__main__":
    import jax
    _d = setup_inputs()
    print(jax.jit(kernel)(*tuple(_d.values())))

</pallas_src>

<mosaic_0001>
#map = affine_map<(d0, d1) -> (0, 0)>
#map1 = affine_map<(d0, d1) -> (0, 0, 0)>
module attributes {stable_mosaic.version = 14 : i64} {
  func.func @k(%arg0: i32, %arg1: i32, %arg2: memref<18432x2048xf32, #tpu.memory_space<hbm>>, %arg3: memref<32x32x16xi32, #tpu.memory_space<hbm>>, %arg4: memref<8192x2048xf32, #tpu.memory_space<hbm>>, %arg5: memref<32x16xi32, #tpu.memory_space<vmem>>, %arg6: memref<16x2048xf32, #tpu.memory_space<vmem>>, %arg7: memref<16x2048xf32, #tpu.memory_space<vmem>>, %arg8: memref<8x2048xf32, #tpu.memory_space<vmem>>, %arg9: memref<8x2048xf32, #tpu.memory_space<vmem>>, %arg10: memref<!tpu.dma_semaphore, #tpu.memory_space<semaphore_mem>>, %arg11: memref<!tpu.dma_semaphore, #tpu.memory_space<semaphore_mem>>, %arg12: memref<!tpu.dma_semaphore, #tpu.memory_space<semaphore_mem>>, %arg13: memref<!tpu.dma_semaphore, #tpu.memory_space<semaphore_mem>>) attributes {dimension_semantics = [#tpu.dimension_semantics<core_parallel>, #tpu.dimension_semantics<subcore_parallel>], iteration_bounds = array<i64: 2, 16>, scalar_prefetch = 0 : i64, scratch_operands = 9 : i64, tpu.core_type = #tpu.core_type<sc_vector_subcore>, window_params = [{transform_indices = #map}, {transform_indices = #map1}, {transform_indices = #map}]} {
    %mul3A = arith.constant 2 : i32
    %mul3A_0 = arith.muli %arg1, %mul3A : i32
    %add3A = arith.addi %mul3A_0, %arg0 : i32
    "tpu.region"() ({
      %run_scoped3A = tpu.sem_alloc : memref<!tpu.dma_semaphore, #tpu.memory_space<semaphore_mem>>
      %dma_start3A_22 = arith.constant 0 : i32
      %dma_start3A_23 = arith.constant 0 : i32
      %dma_start3A_24 = tpu.memref_slice %arg3[%add3A, %dma_start3A_22, %dma_start3A_23] : memref<32x32x16xi32, #tpu.memory_space<hbm>> -> memref<1x32x16xi32, #tpu.memory_space<hbm>>
      %dma_start3A_25 = tpu.memref_squeeze %dma_start3A_24 : memref<1x32x16xi32, #tpu.memory_space<hbm>> -> memref<32x16xi32, #tpu.memory_space<hbm>>
      %dma_start3A_26 = arith.constant 0 : i32
      %dma_start3A_27 = arith.constant 0 : i32
      %dma_start3A_28 = tpu.memref_slice %arg3[%add3A, %dma_start3A_26, %dma_start3A_27] : memref<32x32x16xi32, #tpu.memory_space<hbm>> -> memref<1x32x16xi32, #tpu.memory_space<hbm>>
      %dma_start3A_29 = tpu.memref_squeeze %dma_start3A_28 : memref<1x32x16xi32, #tpu.memory_space<hbm>> -> memref<32x16xi32, #tpu.memory_space<hbm>>
      tpu.enqueue_dma source(%dma_start3A_29 : memref<32x16xi32, #tpu.memory_space<hbm>>) target(%arg5 : memref<32x16xi32, #tpu.memory_space<vmem>>) target_semaphore(%run_scoped3A : memref<!tpu.dma_semaphore, #tpu.memory_space<semaphore_mem>>)
      %dma_wait3A_30 = arith.constant 0 : i32
      %dma_wait3A_31 = arith.constant 0 : i32
      %dma_wait3A_32 = tpu.memref_slice %arg3[%add3A, %dma_wait3A_30, %dma_wait3A_31] : memref<32x32x16xi32, #tpu.memory_space<hbm>> -> memref<1x32x16xi32, #tpu.memory_space<hbm>>
      %dma_wait3A_33 = tpu.memref_squeeze %dma_wait3A_32 : memref<1x32x16xi32, #tpu.memory_space<hbm>> -> memref<32x16xi32, #tpu.memory_space<hbm>>
      %dma_wait3A_34 = arith.constant 0 : i32
      %dma_wait3A_35 = arith.constant 0 : i32
      %dma_wait3A_36 = tpu.memref_slice %arg3[%add3A, %dma_wait3A_34, %dma_wait3A_35] : memref<32x32x16xi32, #tpu.memory_space<hbm>> -> memref<1x32x16xi32, #tpu.memory_space<hbm>>
      %dma_wait3A_37 = tpu.memref_squeeze %dma_wait3A_36 : memref<1x32x16xi32, #tpu.memory_space<hbm>> -> memref<32x16xi32, #tpu.memory_space<hbm>>
      tpu.wait_dma2 semaphore(%run_scoped3A : memref<!tpu.dma_semaphore, #tpu.memory_space<semaphore_mem>>) src(%dma_wait3A_37 : memref<32x16xi32, #tpu.memory_space<hbm>>) dst(%arg5 : memref<32x16xi32, #tpu.memory_space<vmem>>)
      tpu.yield
    }) : () -> ()
    %mul3A_1 = arith.constant 256 : i32
    %mul3A_2 = arith.muli %add3A, %mul3A_1 : i32
    %dma_start3A = arith.constant 0 : i32
    %dma_start3A_3 = arith.constant 0 : i32
    %dma_start3A_4 = tpu.memref_slice %arg5[%dma_start3A, %dma_start3A_3] : memref<32x16xi32, #tpu.memory_space<vmem>> -> memref<1x16xi32, #tpu.memory_space<vmem>>
    %dma_start3A_5 = tpu.memref_squeeze %dma_start3A_4 : memref<1x16xi32, #tpu.memory_space<vmem>> -> memref<16xi32, #tpu.memory_space<vmem>>
    %dma_start3A_6 = arith.constant 0 : i32
    %dma_start3A_7 = arith.constant 0 : i32
    %dma_start3A_8 = tpu.memref_slice %arg2[%dma_start3A_6, %dma_start3A_7] : memref<18432x2048xf32, #tpu.memory_space<hbm>> -> memref<18432x2048xf32, #tpu.memory_space<hbm>>
    tpu.enqueue_indirect_dma source(%dma_start3A_8 : memref<18432x2048xf32, #tpu.memory_space<hbm>>) target(%arg6 : memref<16x2048xf32, #tpu.memory_space<vmem>>) offsets(%dma_start3A_5 : memref<16xi32, #tpu.memory_space<vmem>>) semaphore(%arg10 : memref<!tpu.dma_semaphore, #tpu.memory_space<semaphore_mem>>)
    %scan3A = arith.constant 0 : i32
    %scan3A_9 = arith.constant 0 : i32
    %scan3A_10 = arith.constant 16 : i32
    %scan3A_11 = arith.addi %scan3A_9, %scan3A_10 : i32
    %scan3A_12 = arith.constant 1 : i32
    %scan3A_13 = scf.for %scan3A_22 = %scan3A_9 to %scan3A_11 step %scan3A_12 iter_args(%scan3A_23 = %scan3A) -> (i32)  : i32 {
      %mul3A_24 = arith.constant 2 : i32
      %mul3A_25 = arith.muli %mul3A_24, %scan3A_22 : i32
      %add3A_26 = arith.constant 1 : i32
      %add3A_27 = arith.addi %mul3A_25, %add3A_26 : i32
      %dma_start3A_28 = arith.constant 0 : i32
      %dma_start3A_29 = tpu.memref_slice %arg5[%add3A_27, %dma_start3A_28] : memref<32x16xi32, #tpu.memory_space<vmem>> -> memref<1x16xi32, #tpu.memory_space<vmem>>
      %dma_start3A_30 = tpu.memref_squeeze %dma_start3A_29 : memref<1x16xi32, #tpu.memory_space<vmem>> -> memref<16xi32, #tpu.memory_space<vmem>>
      %dma_start3A_31 = arith.constant 0 : i32
      %dma_start3A_32 = arith.constant 0 : i32
      %dma_start3A_33 = tpu.memref_slice %arg2[%dma_start3A_31, %dma_start3A_32] : memref<18432x2048xf32, #tpu.memory_space<hbm>> -> memref<18432x2048xf32, #tpu.memory_space<hbm>>
      tpu.enqueue_indirect_dma source(%dma_start3A_33 : memref<18432x2048xf32, #tpu.memory_space<hbm>>) target(%arg7 : memref<16x2048xf32, #tpu.memory_space<vmem>>) offsets(%dma_start3A_30 : memref<16xi32, #tpu.memory_space<vmem>>) semaphore(%arg11 : memref<!tpu.dma_semaphore, #tpu.memory_space<semaphore_mem>>)
      %dma_wait3A_34 = arith.constant 0 : i32
      %dma_wait3A_35 = tpu.memref_slice %arg5[%mul3A_25, %dma_wait3A_34] : memref<32x16xi32, #tpu.memory_space<vmem>> -> memref<1x16xi32, #tpu.memory_space<vmem>>
      %dma_wait3A_36 = tpu.memref_squeeze %dma_wait3A_35 : memref<1x16xi32, #tpu.memory_space<vmem>> -> memref<16xi32, #tpu.memory_space<vmem>>
      %dma_wait3A_37 = arith.constant 0 : i32
      %dma_wait3A_38 = arith.constant 0 : i32
      %dma_wait3A_39 = tpu.memref_slice %arg2[%dma_wait3A_37, %dma_wait3A_38] : memref<18432x2048xf32, #tpu.memory_space<hbm>> -> memref<18432x2048xf32, #tpu.memory_space<hbm>>
      tpu.wait_indirect_dma semaphore(%arg10 : memref<!tpu.dma_semaphore, #tpu.memory_space<semaphore_mem>>) src(%dma_wait3A_39 : memref<18432x2048xf32, #tpu.memory_space<hbm>>) dst(%arg6 : memref<16x2048xf32, #tpu.memory_space<vmem>>)
      %ge3A = arith.constant 1 : i32
      %ge3A_40 = arith.cmpi sge, %scan3A_22, %ge3A : i32
      %convert_element_type3A = arith.extui %ge3A_40 : i1 to i32
      %cond3A = arith.constant 0 : i32
      %cond3A_41 = arith.cmpi ne, %convert_element_type3A, %cond3A : i32
      scf.if %cond3A_41 {
        %dma_wait3A_90 = arith.constant 0 : i32
        %dma_wait3A_91 = tpu.memref_slice %arg4[%mul3A_2, %dma_wait3A_90] : memref<8192x2048xf32, #tpu.memory_space<hbm>> -> memref<8x2048xf32, #tpu.memory_space<hbm>>
        %dma_wait3A_92 = arith.constant 0 : i32
        %dma_wait3A_93 = tpu.memref_slice %arg4[%mul3A_2, %dma_wait3A_92] : memref<8192x2048xf32, #tpu.memory_space<hbm>> -> memref<8x2048xf32, #tpu.memory_space<hbm>>
        tpu.wait_dma2 semaphore(%arg12 : memref<!tpu.dma_semaphore, #tpu.memory_space<semaphore_mem>>) src(%arg8 : memref<8x2048xf32, #tpu.memory_space<vmem>>) dst(%dma_wait3A_93 : memref<8x2048xf32, #tpu.memory_space<hbm>>)
      } else {
      }
      %scan3A_42 = arith.constant 0 : i32
      %scan3A_43 = arith.constant 0 : i32
      %scan3A_44 = arith.constant 128 : i32
      %scan3A_45 = arith.addi %scan3A_43, %scan3A_44 : i32
      %scan3A_46 = arith.constant 1 : i32
      %scan3A_47 = scf.for %scan3A_90 = %scan3A_43 to %scan3A_45 step %scan3A_46 iter_args(%scan3A_91 = %scan3A_42) -> (i32)  : i32 {
        %mul3A_92 = arith.constant 16 : i32
        %mul3A_93 = arith.muli %scan3A_90, %mul3A_92 : i32
        %get3A = arith.constant 0 : i32
        %get3A_94 = arith.index_cast %get3A : i32 to index
        %get3A_95 = arith.index_cast %mul3A_93 : i32 to index
        %get3A_96 = tpu.vector_load %arg6[%get3A_94, %get3A_95] {strides = array<i32>} : memref<16x2048xf32, #tpu.memory_space<vmem>>, vector<1x16xf32>,
        %get3A_97 = vector.shape_cast %get3A_96 : vector<1x16xf32> to vector<16xf32>
        %get3A_98 = arith.constant 1 : i32
        %get3A_99 = arith.index_cast %get3A_98 : i32 to index
        %get3A_100 = arith.index_cast %mul3A_93 : i32 to index
        %get3A_101 = tpu.vector_load %arg6[%get3A_99, %get3A_100] {strides = array<i32>} : memref<16x2048xf32, #tpu.memory_space<vmem>>, vector<1x16xf32>,
        %get3A_102 = vector.shape_cast %get3A_101 : vector<1x16xf32> to vector<16xf32>
        %add3A_103 = arith.addf %get3A_97, %get3A_102 : vector<16xf32>
        %swap3A = arith.constant 0 : i32
        %swap3A_104 = arith.index_cast %swap3A : i32 to index
        %swap3A_105 = arith.index_cast %mul3A_93 : i32 to index
        %swap3A_106 = tpu.vector_load %arg8[%swap3A_104, %swap3A_105] {strides = array<i32>} : memref<8x2048xf32, #tpu.memory_space<vmem>>, vector<1x16xf32>,
        %swap3A_107 = vector.shape_cast %swap3A_106 : vector<1x16xf32> to vector<16xf32>
        %swap3A_108 = vector.shape_cast %add3A_103 : vector<16xf32> to vector<1x16xf32>
        tpu.vector_store %arg8[%swap3A_104, %swap3A_105], %swap3A_108 {strides = array<i32>} : memref<8x2048xf32, #tpu.memory_space<vmem>>, vector<1x16xf32>,
        %get3A_109 = arith.constant 2 : i32
        %get3A_110 = arith.index_cast %get3A_109 : i32 to index
        %get3A_111 = arith.index_cast %mul3A_93 : i32 to index
        %get3A_112 = tpu.vector_load %arg6[%get3A_110, %get3A_111] {strides = array<i32>} : memref<16x2048xf32, #tpu.memory_space<vmem>>, vector<1x16xf32>,
        %get3A_113 = vector.shape_cast %get3A_112 : vector<1x16xf32> to vector<16xf32>
        %get3A_114 = arith.constant 3 : i32
        %get3A_115 = arith.index_cast %get3A_114 : i32 to index
        %get3A_116 = arith.index_cast %mul3A_93 : i32 to index
        %get3A_117 = tpu.vector_load %arg6[%get3A_115, %get3A_116] {strides = array<i32>} : memref<16x2048xf32, #tpu.memory_space<vmem>>, vector<1x16xf32>,
        %get3A_118 = vector.shape_cast %get3A_117 : vector<1x16xf32> to vector<16xf32>
        %add3A_119 = arith.addf %get3A_113, %get3A_118 : vector<16xf32>
        %swap3A_120 = arith.constant 1 : i32
        %swap3A_121 = arith.index_cast %swap3A_120 : i32 to index
        %swap3A_122 = arith.index_cast %mul3A_93 : i32 to index
        %swap3A_123 = tpu.vector_load %arg8[%swap3A_121, %swap3A_122] {strides = array<i32>} : memref<8x2048xf32, #tpu.memory_space<vmem>>, vector<1x16xf32>,
        %swap3A_124 = vector.shape_cast %swap3A_123 : vector<1x16xf32> to vector<16xf32>
        %swap3A_125 = vector.shape_cast %add3A_119 : vector<16xf32> to vector<1x16xf32>
        tpu.vector_store %arg8[%swap3A_121, %swap3A_122], %swap3A_125 {strides = array<i32>} : memref<8x2048xf32, #tpu.memory_space<vmem>>, vector<1x16xf32>,
        %get3A_126 = arith.constant 4 : i32
        %get3A_127 = arith.index_cast %get3A_126 : i32 to index
        %get3A_128 = arith.index_cast %mul3A_93 : i32 to index
        %get3A_129 = tpu.vector_load %arg6[%get3A_127, %get3A_128] {strides = array<i32>} : memref<16x2048xf32, #tpu.memory_space<vmem>>, vector<1x16xf32>,
        %get3A_130 = vector.shape_cast %get3A_129 : vector<1x16xf32> to vector<16xf32>
        %get3A_131 = arith.constant 5 : i32
        %get3A_132 = arith.index_cast %get3A_131 : i32 to index
        %get3A_133 = arith.index_cast %mul3A_93 : i32 to index
        %get3A_134 = tpu.vector_load %arg6[%get3A_132, %get3A_133] {strides = array<i32>} : memref<16x2048xf32, #tpu.memory_space<vmem>>, vector<1x16xf32>,
        %get3A_135 = vector.shape_cast %get3A_134 : vector<1x16xf32> to vector<16xf32>
        %add3A_136 = arith.addf %get3A_130, %get3A_135 : vector<16xf32>
        %swap3A_137 = arith.constant 2 : i32
        %swap3A_138 = arith.index_cast %swap3A_137 : i32 to index
        %swap3A_139 = arith.index_cast %mul3A_93 : i32 to index
        %swap3A_140 = tpu.vector_load %arg8[%swap3A_138, %swap3A_139] {strides = array<i32>} : memref<8x2048xf32, #tpu.memory_space<vmem>>, vector<1x16xf32>,
        %swap3A_141 = vector.shape_cast %swap3A_140 : vector<1x16xf32> to vector<16xf32>
        %swap3A_142 = vector.shape_cast %add3A_136 : vector<16xf32> to vector<1x16xf32>
        tpu.vector_store %arg8[%swap3A_138, %swap3A_139], %swap3A_142 {strides = array<i32>} : memref<8x2048xf32, #tpu.memory_space<vmem>>, vector<1x16xf32>,
        %get3A_143 = arith.constant 6 : i32
        %get3A_144 = arith.index_cast %get3A_143 : i32 to index
        %get3A_145 = arith.index_cast %mul3A_93 : i32 to index
        %get3A_146 = tpu.vector_load %arg6[%get3A_144, %get3A_145] {strides = array<i32>} : memref<16x2048xf32, #tpu.memory_space<vmem>>, vector<1x16xf32>,
        %get3A_147 = vector.shape_cast %get3A_146 : vector<1x16xf32> to vector<16xf32>
        %get3A_148 = arith.constant 7 : i32
        %get3A_149 = arith.index_cast %get3A_148 : i32 to index
        %get3A_150 = arith.index_cast %mul3A_93 : i32 to index
        %get3A_151 = tpu.vector_load %arg6[%get3A_149, %get3A_150] {strides = array<i32>} : memref<16x2048xf32, #tpu.memory_space<vmem>>, vector<1x16xf32>,
        %get3A_152 = vector.shape_cast %get3A_151 : vector<1x16xf32> to vector<16xf32>
        %add3A_153 = arith.addf %get3A_147, %get3A_152 : vector<16xf32>
        %swap3A_154 = arith.constant 3 : i32
        %swap3A_155 = arith.index_cast %swap3A_154 : i32 to index
        %swap3A_156 = arith.index_cast %mul3A_93 : i32 to index
        %swap3A_157 = tpu.vector_load %arg8[%swap3A_155, %swap3A_156] {strides = array<i32>} : memref<8x2048xf32, #tpu.memory_space<vmem>>, vector<1x16xf32>,
        %swap3A_158 = vector.shape_cast %swap3A_157 : vector<1x16xf32> to vector<16xf32>
        %swap3A_159 = vector.shape_cast %add3A_153 : vector<16xf32> to vector<1x16xf32>
        tpu.vector_store %arg8[%swap3A_155, %swap3A_156], %swap3A_159 {strides = array<i32>} : memref<8x2048xf32, #tpu.memory_space<vmem>>, vector<1x16xf32>,
        %get3A_160 = arith.constant 8 : i32
        %get3A_161 = arith.index_cast %get3A_160 : i32 to index
        %get3A_162 = arith.index_cast %mul3A_93 : i32 to index
        %get3A_163 = tpu.vector_load %arg6[%get3A_161, %get3A_162] {strides = array<i32>} : memref<16x2048xf32, #tpu.memory_space<vmem>>, vector<1x16xf32>,
        %get3A_164 = vector.shape_cast %get3A_163 : vector<1x16xf32> to vector<16xf32>
        %get3A_165 = arith.constant 9 : i32
        %get3A_166 = arith.index_cast %get3A_165 : i32 to index
        %get3A_167 = arith.index_cast %mul3A_93 : i32 to index
        %get3A_168 = tpu.vector_load %arg6[%get3A_166, %get3A_167] {strides = array<i32>} : memref<16x2048xf32, #tpu.memory_space<vmem>>, vector<1x16xf32>,
        %get3A_169 = vector.shape_cast %get3A_168 : vector<1x16xf32> to vector<16xf32>
        %add3A_170 = arith.addf %get3A_164, %get3A_169 : vector<16xf32>
        %swap3A_171 = arith.constant 4 : i32
        %swap3A_172 = arith.index_cast %swap3A_171 : i32 to index
        %swap3A_173 = arith.index_cast %mul3A_93 : i32 to index
        %swap3A_174 = tpu.vector_load %arg8[%swap3A_172, %swap3A_173] {strides = array<i32>} : memref<8x2048xf32, #tpu.memory_space<vmem>>, vector<1x16xf32>,
        %swap3A_175 = vector.shape_cast %swap3A_174 : vector<1x16xf32> to vector<16xf32>
        %swap3A_176 = vector.shape_cast %add3A_170 : vector<16xf32> to vector<1x16xf32>
        tpu.vector_store %arg8[%swap3A_172, %swap3A_173], %swap3A_176 {strides = array<i32>} : memref<8x2048xf32, #tpu.memory_space<vmem>>, vector<1x16xf32>,
        %get3A_177 = arith.constant 10 : i32
        %get3A_178 = arith.index_cast %get3A_177 : i32 to index
        %get3A_179 = arith.index_cast %mul3A_93 : i32 to index
        %get3A_180 = tpu.vector_load %arg6[%get3A_178, %get3A_179] {strides = array<i32>} : memref<16x2048xf32, #tpu.memory_space<vmem>>, vector<1x16xf32>,
        %get3A_181 = vector.shape_cast %get3A_180 : vector<1x16xf32> to vector<16xf32>
        %get3A_182 = arith.constant 11 : i32
        %get3A_183 = arith.index_cast %get3A_182 : i32 to index
        %get3A_184 = arith.index_cast %mul3A_93 : i32 to index
        %get3A_185 = tpu.vector_load %arg6[%get3A_183, %get3A_184] {strides = array<i32>} : memref<16x2048xf32, #tpu.memory_space<vmem>>, vector<1x16xf32>,
        %get3A_186 = vector.shape_cast %get3A_185 : vector<1x16xf32> to vector<16xf32>
        %add3A_187 = arith.addf %get3A_181, %get3A_186 : vector<16xf32>
        %swap3A_188 = arith.constant 5 : i32
        %swap3A_189 = arith.index_cast %swap3A_188 : i32 to index
        %swap3A_190 = arith.index_cast %mul3A_93 : i32 to index
        %swap3A_191 = tpu.vector_load %arg8[%swap3A_189, %swap3A_190] {strides = array<i32>} : memref<8x2048xf32, #tpu.memory_space<vmem>>, vector<1x16xf32>,
        %swap3A_192 = vector.shape_cast %swap3A_191 : vector<1x16xf32> to vector<16xf32>
        %swap3A_193 = vector.shape_cast %add3A_187 : vector<16xf32> to vector<1x16xf32>
        tpu.vector_store %arg8[%swap3A_189, %swap3A_190], %swap3A_193 {strides = array<i32>} : memref<8x2048xf32, #tpu.memory_space<vmem>>, vector<1x16xf32>,
        %get3A_194 = arith.constant 12 : i32
        %get3A_195 = arith.index_cast %get3A_194 : i32 to index
        %get3A_196 = arith.index_cast %mul3A_93 : i32 to index
        %get3A_197 = tpu.vector_load %arg6[%get3A_195, %get3A_196] {strides = array<i32>} : memref<16x2048xf32, #tpu.memory_space<vmem>>, vector<1x16xf32>,
        %get3A_198 = vector.shape_cast %get3A_197 : vector<1x16xf32> to vector<16xf32>
        %get3A_199 = arith.constant 13 : i32
        %get3A_200 = arith.index_cast %get3A_199 : i32 to index
        %get3A_201 = arith.index_cast %mul3A_93 : i32 to index
        %get3A_202 = tpu.vector_load %arg6[%get3A_200, %get3A_201] {strides = array<i32>} : memref<16x2048xf32, #tpu.memory_space<vmem>>, vector<1x16xf32>,
        %get3A_203 = vector.shape_cast %get3A_202 : vector<1x16xf32> to vector<16xf32>
        %add3A_204 = arith.addf %get3A_198, %get3A_203 : vector<16xf32>
        %swap3A_205 = arith.constant 6 : i32
        %swap3A_206 = arith.index_cast %swap3A_205 : i32 to index
        %swap3A_207 = arith.index_cast %mul3A_93 : i32 to index
        %swap3A_208 = tpu.vector_load %arg8[%swap3A_206, %swap3A_207] {strides = array<i32>} : memref<8x2048xf32, #tpu.memory_space<vmem>>, vector<1x16xf32>,
        %swap3A_209 = vector.shape_cast %swap3A_208 : vector<1x16xf32> to vector<16xf32>
        %swap3A_210 = vector.shape_cast %add3A_204 : vector<16xf32> to vector<1x16xf32>
        tpu.vector_store %arg8[%swap3A_206, %swap3A_207], %swap3A_210 {strides = array<i32>} : memref<8x2048xf32, #tpu.memory_space<vmem>>, vector<1x16xf32>,
        %get3A_211 = arith.constant 14 : i32
        %get3A_212 = arith.index_cast %get3A_211 : i32 to index
        %get3A_213 = arith.index_cast %mul3A_93 : i32 to index
        %get3A_214 = tpu.vector_load %arg6[%get3A_212, %get3A_213] {strides = array<i32>} : memref<16x2048xf32, #tpu.memory_space<vmem>>, vector<1x16xf32>,
        %get3A_215 = vector.shape_cast %get3A_214 : vector<1x16xf32> to vector<16xf32>
        %get3A_216 = arith.constant 15 : i32
        %get3A_217 = arith.index_cast %get3A_216 : i32 to index
        %get3A_218 = arith.index_cast %mul3A_93 : i32 to index
        %get3A_219 = tpu.vector_load %arg6[%get3A_217, %get3A_218] {strides = array<i32>} : memref<16x2048xf32, #tpu.memory_space<vmem>>, vector<1x16xf32>,
        %get3A_220 = vector.shape_cast %get3A_219 : vector<1x16xf32> to vector<16xf32>
        %add3A_221 = arith.addf %get3A_215, %get3A_220 : vector<16xf32>
        %swap3A_222 = arith.constant 7 : i32
        %swap3A_223 = arith.index_cast %swap3A_222 : i32 to index
        %swap3A_224 = arith.index_cast %mul3A_93 : i32 to index
        %swap3A_225 = tpu.vector_load %arg8[%swap3A_223, %swap3A_224] {strides = array<i32>} : memref<8x2048xf32, #tpu.memory_space<vmem>>, vector<1x16xf32>,
        %swap3A_226 = vector.shape_cast %swap3A_225 : vector<1x16xf32> to vector<16xf32>
        %swap3A_227 = vector.shape_cast %add3A_221 : vector<16xf32> to vector<1x16xf32>
        tpu.vector_store %arg8[%swap3A_223, %swap3A_224], %swap3A_227 {strides = array<i32>} : memref<8x2048xf32, #tpu.memory_space<vmem>>, vector<1x16xf32>,
        %scan3A_228 = arith.constant 0 : i32
        scf.yield %scan3A_228 : i32
      }
      %scan3A_48 = arith.constant 128 : i32
      %mul3A_49 = arith.constant 8 : i32
      %mul3A_50 = arith.muli %mul3A_25, %mul3A_49 : i32
      %add3A_51 = arith.addi %mul3A_2, %mul3A_50 : i32
      %dma_start3A_52 = arith.constant 0 : i32
      %dma_start3A_53 = tpu.memref_slice %arg4[%add3A_51, %dma_start3A_52] : memref<8192x2048xf32, #tpu.memory_space<hbm>> -> memref<8x2048xf32, #tpu.memory_space<hbm>>
      %dma_start3A_54 = arith.constant 0 : i32
      %dma_start3A_55 = tpu.memref_slice %arg4[%add3A_51, %dma_start3A_54] : memref<8192x2048xf32, #tpu.memory_space<hbm>> -> memref<8x2048xf32, #tpu.memory_space<hbm>>
      tpu.enqueue_dma source(%arg8 : memref<8x2048xf32, #tpu.memory_space<vmem>>) target(%dma_start3A_55 : memref<8x2048xf32, #tpu.memory_space<hbm>>) target_semaphore(%arg12 : memref<!tpu.dma_semaphore, #tpu.memory_space<semaphore_mem>>)
      %lt3A = arith.constant 15 : i32
      %lt3A_56 = arith.cmpi slt, %scan3A_22, %lt3A : i32
      %convert_element_type3A_57 = arith.extui %lt3A_56 : i1 to i32
      %cond3A_58 = arith.constant 0 : i32
      %cond3A_59 = arith.cmpi ne, %convert_element_type3A_57, %cond3A_58 : i32
      scf.if %cond3A_59 {
        %add3A_90 = arith.constant 2 : i32
        %add3A_91 = arith.addi %mul3A_25, %add3A_90 : i32
        %dma_start3A_92 = arith.constant 0 : i32
        %dma_start3A_93 = tpu.memref_slice %arg5[%add3A_91, %dma_start3A_92] : memref<32x16xi32, #tpu.memory_space<vmem>> -> memref<1x16xi32, #tpu.memory_space<vmem>>
        %dma_start3A_94 = tpu.memref_squeeze %dma_start3A_93 : memref<1x16xi32, #tpu.memory_space<vmem>> -> memref<16xi32, #tpu.memory_space<vmem>>
        %dma_start3A_95 = arith.constant 0 : i32
        %dma_start3A_96 = arith.constant 0 : i32
        %dma_start3A_97 = tpu.memref_slice %arg2[%dma_start3A_95, %dma_start3A_96] : memref<18432x2048xf32, #tpu.memory_space<hbm>> -> memref<18432x2048xf32, #tpu.memory_space<hbm>>
        tpu.enqueue_indirect_dma source(%dma_start3A_97 : memref<18432x2048xf32, #tpu.memory_space<hbm>>) target(%arg6 : memref<16x2048xf32, #tpu.memory_space<vmem>>) offsets(%dma_start3A_94 : memref<16xi32, #tpu.memory_space<vmem>>) semaphore(%arg10 : memref<!tpu.dma_semaphore, #tpu.memory_space<semaphore_mem>>)
      } else {
      }
      %add3A_60 = arith.constant 1 : i32
      %add3A_61 = arith.addi %mul3A_25, %add3A_60 : i32
      %dma_wait3A_62 = arith.constant 0 : i32
      %dma_wait3A_63 = tpu.memref_slice %arg5[%add3A_61, %dma_wait3A_62] : memref<32x16xi32, #tpu.memory_space<vmem>> -> memref<1x16xi32, #tpu.memory_space<vmem>>
      %dma_wait3A_64 = tpu.memref_squeeze %dma_wait3A_63 : memref<1x16xi32, #tpu.memory_space<vmem>> -> memref<16xi32, #tpu.memory_space<vmem>>
      %dma_wait3A_65 = arith.constant 0 : i32
      %dma_wait3A_66 = arith.constant 0 : i32
      %dma_wait3A_67 = tpu.memref_slice %arg2[%dma_wait3A_65, %dma_wait3A_66] : memref<18432x2048xf32, #tpu.memory_space<hbm>> -> memref<18432x2048xf32, #tpu.memory_space<hbm>>
      tpu.wait_indirect_dma semaphore(%arg11 : memref<!tpu.dma_semaphore, #tpu.memory_space<semaphore_mem>>) src(%dma_wait3A_67 : memref<18432x2048xf32, #tpu.memory_space<hbm>>) dst(%arg7 : memref<16x2048xf32, #tpu.memory_space<vmem>>)
      %ge3A_68 = arith.constant 1 : i32
      %ge3A_69 = arith.cmpi sge, %scan3A_22, %ge3A_68 : i32
      %convert_element_type3A_70 = arith.extui %ge3A_69 : i1 to i32
      %cond3A_71 = arith.constant 0 : i32
      %cond3A_72 = arith.cmpi ne, %convert_element_type3A_70, %cond3A_71 : i32
      scf.if %cond3A_72 {
        %dma_wait3A_90 = arith.constant 0 : i32
        %dma_wait3A_91 = tpu.memref_slice %arg4[%mul3A_2, %dma_wait3A_90] : memref<8192x2048xf32, #tpu.memory_space<hbm>> -> memref<8x2048xf32, #tpu.memory_space<hbm>>
        %dma_wait3A_92 = arith.constant 0 : i32
        %dma_wait3A_93 = tpu.memref_slice %arg4[%mul3A_2, %dma_wait3A_92] : memref<8192x2048xf32, #tpu.memory_space<hbm>> -> memref<8x2048xf32, #tpu.memory_space<hbm>>
        tpu.wait_dma2 semaphore(%arg13 : memref<!tpu.dma_semaphore, #tpu.memory_space<semaphore_mem>>) src(%arg9 : memref<8x2048xf32, #tpu.memory_space<vmem>>) dst(%dma_wait3A_93 : memref<8x2048xf32, #tpu.memory_space<hbm>>)
      } else {
      }
      %scan3A_73 = arith.constant 0 : i32
      %scan3A_74 = arith.constant 0 : i32
      %scan3A_75 = arith.constant 128 : i32
      %scan3A_76 = arith.addi %scan3A_74, %scan3A_75 : i32
      %scan3A_77 = arith.constant 1 : i32
      %scan3A_78 = scf.for %scan3A_90 = %scan3A_74 to %scan3A_76 step %scan3A_77 iter_args(%scan3A_91 = %scan3A_73) -> (i32)  : i32 {
        %mul3A_92 = arith.constant 16 : i32
        %mul3A_93 = arith.muli %scan3A_90, %mul3A_92 : i32
        %get3A = arith.constant 0 : i32
        %get3A_94 = arith.index_cast %get3A : i32 to index
        %get3A_95 = arith.index_cast %mul3A_93 : i32 to index
        %get3A_96 = tpu.vector_load %arg7[%get3A_94, %get3A_95] {strides = array<i32>} : memref<16x2048xf32, #tpu.memory_space<vmem>>, vector<1x16xf32>,
        %get3A_97 = vector.shape_cast %get3A_96 : vector<1x16xf32> to vector<16xf32>
        %get3A_98 = arith.constant 1 : i32
        %get3A_99 = arith.index_cast %get3A_98 : i32 to index
        %get3A_100 = arith.index_cast %mul3A_93 : i32 to index
        %get3A_101 = tpu.vector_load %arg7[%get3A_99, %get3A_100] {strides = array<i32>} : memref<16x2048xf32, #tpu.memory_space<vmem>>, vector<1x16xf32>,
        %get3A_102 = vector.shape_cast %get3A_101 : vector<1x16xf32> to vector<16xf32>
        %add3A_103 = arith.addf %get3A_97, %get3A_102 : vector<16xf32>
        %swap3A = arith.constant 0 : i32
        %swap3A_104 = arith.index_cast %swap3A : i32 to index
        %swap3A_105 = arith.index_cast %mul3A_93 : i32 to index
        %swap3A_106 = tpu.vector_load %arg9[%swap3A_104, %swap3A_105] {strides = array<i32>} : memref<8x2048xf32, #tpu.memory_space<vmem>>, vector<1x16xf32>,
        %swap3A_107 = vector.shape_cast %swap3A_106 : vector<1x16xf32> to vector<16xf32>
        %swap3A_108 = vector.shape_cast %add3A_103 : vector<16xf32> to vector<1x16xf32>
        tpu.vector_store %arg9[%swap3A_104, %swap3A_105], %swap3A_108 {strides = array<i32>} : memref<8x2048xf32, #tpu.memory_space<vmem>>, vector<1x16xf32>,
        %get3A_109 = arith.constant 2 : i32
        %get3A_110 = arith.index_cast %get3A_109 : i32 to index
        %get3A_111 = arith.index_cast %mul3A_93 : i32 to index
        %get3A_112 = tpu.vector_load %arg7[%get3A_110, %get3A_111] {strides = array<i32>} : memref<16x2048xf32, #tpu.memory_space<vmem>>, vector<1x16xf32>,
        %get3A_113 = vector.shape_cast %get3A_112 : vector<1x16xf32> to vector<16xf32>
        %get3A_114 = arith.constant 3 : i32
        %get3A_115 = arith.index_cast %get3A_114 : i32 to index
        %get3A_116 = arith.index_cast %mul3A_93 : i32 to index
        %get3A_117 = tpu.vector_load %arg7[%get3A_115, %get3A_116] {strides = array<i32>} : memref<16x2048xf32, #tpu.memory_space<vmem>>, vector<1x16xf32>,
        %get3A_118 = vector.shape_cast %get3A_117 : vector<1x16xf32> to vector<16xf32>
        %add3A_119 = arith.addf %get3A_113, %get3A_118 : vector<16xf32>
        %swap3A_120 = arith.constant 1 : i32
        %swap3A_121 = arith.index_cast %swap3A_120 : i32 to index
        %swap3A_122 = arith.index_cast %mul3A_93 : i32 to index
        %swap3A_123 = tpu.vector_load %arg9[%swap3A_121, %swap3A_122] {strides = array<i32>} : memref<8x2048xf32, #tpu.memory_space<vmem>>, vector<1x16xf32>,
        %swap3A_124 = vector.shape_cast %swap3A_123 : vector<1x16xf32> to vector<16xf32>
        %swap3A_125 = vector.shape_cast %add3A_119 : vector<16xf32> to vector<1x16xf32>
        tpu.vector_store %arg9[%swap3A_121, %swap3A_122], %swap3A_125 {strides = array<i32>} : memref<8x2048xf32, #tpu.memory_space<vmem>>, vector<1x16xf32>,
        %get3A_126 = arith.constant 4 : i32
        %get3A_127 = arith.index_cast %get3A_126 : i32 to index
        %get3A_128 = arith.index_cast %mul3A_93 : i32 to index
        %get3A_129 = tpu.vector_load %arg7[%get3A_127, %get3A_128] {strides = array<i32>} : memref<16x2048xf32, #tpu.memory_space<vmem>>, vector<1x16xf32>,
        %get3A_130 = vector.shape_cast %get3A_129 : vector<1x16xf32> to vector<16xf32>
        %get3A_131 = arith.constant 5 : i32
        %get3A_132 = arith.index_cast %get3A_131 : i32 to index
        %get3A_133 = arith.index_cast %mul3A_93 : i32 to index
        %get3A_134 = tpu.vector_load %arg7[%get3A_132, %get3A_133] {strides = array<i32>} : memref<16x2048xf32, #tpu.memory_space<vmem>>, vector<1x16xf32>,
        %get3A_135 = vector.shape_cast %get3A_134 : vector<1x16xf32> to vector<16xf32>
        %add3A_136 = arith.addf %get3A_130, %get3A_135 : vector<16xf32>
        %swap3A_137 = arith.constant 2 : i32
        %swap3A_138 = arith.index_cast %swap3A_137 : i32 to index
        %swap3A_139 = arith.index_cast %mul3A_93 : i32 to index
        %swap3A_140 = tpu.vector_load %arg9[%swap3A_138, %swap3A_139] {strides = array<i32>} : memref<8x2048xf32, #tpu.memory_space<vmem>>, vector<1x16xf32>,
        %swap3A_141 = vector.shape_cast %swap3A_140 : vector<1x16xf32> to vector<16xf32>
        %swap3A_142 = vector.shape_cast %add3A_136 : vector<16xf32> to vector<1x16xf32>
        tpu.vector_store %arg9[%swap3A_138, %swap3A_139], %swap3A_142 {strides = array<i32>} : memref<8x2048xf32, #tpu.memory_space<vmem>>, vector<1x16xf32>,
        %get3A_143 = arith.constant 6 : i32
        %get3A_144 = arith.index_cast %get3A_143 : i32 to index
        %get3A_145 = arith.index_cast %mul3A_93 : i32 to index
        %get3A_146 = tpu.vector_load %arg7[%get3A_144, %get3A_145] {strides = array<i32>} : memref<16x2048xf32, #tpu.memory_space<vmem>>, vector<1x16xf32>,
        %get3A_147 = vector.shape_cast %get3A_146 : vector<1x16xf32> to vector<16xf32>
        %get3A_148 = arith.constant 7 : i32
        %get3A_149 = arith.index_cast %get3A_148 : i32 to index
        %get3A_150 = arith.index_cast %mul3A_93 : i32 to index
        %get3A_151 = tpu.vector_load %arg7[%get3A_149, %get3A_150] {strides = array<i32>} : memref<16x2048xf32, #tpu.memory_space<vmem>>, vector<1x16xf32>,
        %get3A_152 = vector.shape_cast %get3A_151 : vector<1x16xf32> to vector<16xf32>
        %add3A_153 = arith.addf %get3A_147, %get3A_152 : vector<16xf32>
        %swap3A_154 = arith.constant 3 : i32
        %swap3A_155 = arith.index_cast %swap3A_154 : i32 to index
        %swap3A_156 = arith.index_cast %mul3A_93 : i32 to index
        %swap3A_157 = tpu.vector_load %arg9[%swap3A_155, %swap3A_156] {strides = array<i32>} : memref<8x2048xf32, #tpu.memory_space<vmem>>, vector<1x16xf32>,
        %swap3A_158 = vector.shape_cast %swap3A_157 : vector<1x16xf32> to vector<16xf32>
        %swap3A_159 = vector.shape_cast %add3A_153 : vector<16xf32> to vector<1x16xf32>
        tpu.vector_store %arg9[%swap3A_155, %swap3A_156], %swap3A_159 {strides = array<i32>} : memref<8x2048xf32, #tpu.memory_space<vmem>>, vector<1x16xf32>,
        %get3A_160 = arith.constant 8 : i32
        %get3A_161 = arith.index_cast %get3A_160 : i32 to index
        %get3A_162 = arith.index_cast %mul3A_93 : i32 to index
        %get3A_163 = tpu.vector_load %arg7[%get3A_161, %get3A_162] {strides = array<i32>} : memref<16x2048xf32, #tpu.memory_space<vmem>>, vector<1x16xf32>,
        %get3A_164 = vector.shape_cast %get3A_163 : vector<1x16xf32> to vector<16xf32>
        %get3A_165 = arith.constant 9 : i32
        %get3A_166 = arith.index_cast %get3A_165 : i32 to index
        %get3A_167 = arith.index_cast %mul3A_93 : i32 to index
        %get3A_168 = tpu.vector_load %arg7[%get3A_166, %get3A_167] {strides = array<i32>} : memref<16x2048xf32, #tpu.memory_space<vmem>>, vector<1x16xf32>,
        %get3A_169 = vector.shape_cast %get3A_168 : vector<1x16xf32> to vector<16xf32>
        %add3A_170 = arith.addf %get3A_164, %get3A_169 : vector<16xf32>
        %swap3A_171 = arith.constant 4 : i32
        %swap3A_172 = arith.index_cast %swap3A_171 : i32 to index
        %swap3A_173 = arith.index_cast %mul3A_93 : i32 to index
        %swap3A_174 = tpu.vector_load %arg9[%swap3A_172, %swap3A_173] {strides = array<i32>} : memref<8x2048xf32, #tpu.memory_space<vmem>>, vector<1x16xf32>,
        %swap3A_175 = vector.shape_cast %swap3A_174 : vector<1x16xf32> to vector<16xf32>
        %swap3A_176 = vector.shape_cast %add3A_170 : vector<16xf32> to vector<1x16xf32>
        tpu.vector_store %arg9[%swap3A_172, %swap3A_173], %swap3A_176 {strides = array<i32>} : memref<8x2048xf32, #tpu.memory_space<vmem>>, vector<1x16xf32>,
        %get3A_177 = arith.constant 10 : i32
        %get3A_178 = arith.index_cast %get3A_177 : i32 to index
        %get3A_179 = arith.index_cast %mul3A_93 : i32 to index
        %get3A_180 = tpu.vector_load %arg7[%get3A_178, %get3A_179] {strides = array<i32>} : memref<16x2048xf32, #tpu.memory_space<vmem>>, vector<1x16xf32>,
        %get3A_181 = vector.shape_cast %get3A_180 : vector<1x16xf32> to vector<16xf32>
        %get3A_182 = arith.constant 11 : i32
        %get3A_183 = arith.index_cast %get3A_182 : i32 to index
        %get3A_184 = arith.index_cast %mul3A_93 : i32 to index
        %get3A_185 = tpu.vector_load %arg7[%get3A_183, %get3A_184] {strides = array<i32>} : memref<16x2048xf32, #tpu.memory_space<vmem>>, vector<1x16xf32>,
        %get3A_186 = vector.shape_cast %get3A_185 : vector<1x16xf32> to vector<16xf32>
        %add3A_187 = arith.addf %get3A_181, %get3A_186 : vector<16xf32>
        %swap3A_188 = arith.constant 5 : i32
        %swap3A_189 = arith.index_cast %swap3A_188 : i32 to index
        %swap3A_190 = arith.index_cast %mul3A_93 : i32 to index
        %swap3A_191 = tpu.vector_load %arg9[%swap3A_189, %swap3A_190] {strides = array<i32>} : memref<8x2048xf32, #tpu.memory_space<vmem>>, vector<1x16xf32>,
        %swap3A_192 = vector.shape_cast %swap3A_191 : vector<1x16xf32> to vector<16xf32>
        %swap3A_193 = vector.shape_cast %add3A_187 : vector<16xf32> to vector<1x16xf32>
        tpu.vector_store %arg9[%swap3A_189, %swap3A_190], %swap3A_193 {strides = array<i32>} : memref<8x2048xf32, #tpu.memory_space<vmem>>, vector<1x16xf32>,
        %get3A_194 = arith.constant 12 : i32
        %get3A_195 = arith.index_cast %get3A_194 : i32 to index
        %get3A_196 = arith.index_cast %mul3A_93 : i32 to index
        %get3A_197 = tpu.vector_load %arg7[%get3A_195, %get3A_196] {strides = array<i32>} : memref<16x2048xf32, #tpu.memory_space<vmem>>, vector<1x16xf32>,
        %get3A_198 = vector.shape_cast %get3A_197 : vector<1x16xf32> to vector<16xf32>
        %get3A_199 = arith.constant 13 : i32
        %get3A_200 = arith.index_cast %get3A_199 : i32 to index
        %get3A_201 = arith.index_cast %mul3A_93 : i32 to index
        %get3A_202 = tpu.vector_load %arg7[%get3A_200, %get3A_201] {strides = array<i32>} : memref<16x2048xf32, #tpu.memory_space<vmem>>, vector<1x16xf32>,
        %get3A_203 = vector.shape_cast %get3A_202 : vector<1x16xf32> to vector<16xf32>
        %add3A_204 = arith.addf %get3A_198, %get3A_203 : vector<16xf32>
        %swap3A_205 = arith.constant 6 : i32
        %swap3A_206 = arith.index_cast %swap3A_205 : i32 to index
        %swap3A_207 = arith.index_cast %mul3A_93 : i32 to index
        %swap3A_208 = tpu.vector_load %arg9[%swap3A_206, %swap3A_207] {strides = array<i32>} : memref<8x2048xf32, #tpu.memory_space<vmem>>, vector<1x16xf32>,
        %swap3A_209 = vector.shape_cast %swap3A_208 : vector<1x16xf32> to vector<16xf32>
        %swap3A_210 = vector.shape_cast %add3A_204 : vector<16xf32> to vector<1x16xf32>
        tpu.vector_store %arg9[%swap3A_206, %swap3A_207], %swap3A_210 {strides = array<i32>} : memref<8x2048xf32, #tpu.memory_space<vmem>>, vector<1x16xf32>,
        %get3A_211 = arith.constant 14 : i32
        %get3A_212 = arith.index_cast %get3A_211 : i32 to index
        %get3A_213 = arith.index_cast %mul3A_93 : i32 to index
        %get3A_214 = tpu.vector_load %arg7[%get3A_212, %get3A_213] {strides = array<i32>} : memref<16x2048xf32, #tpu.memory_space<vmem>>, vector<1x16xf32>,
        %get3A_215 = vector.shape_cast %get3A_214 : vector<1x16xf32> to vector<16xf32>
        %get3A_216 = arith.constant 15 : i32
        %get3A_217 = arith.index_cast %get3A_216 : i32 to index
        %get3A_218 = arith.index_cast %mul3A_93 : i32 to index
        %get3A_219 = tpu.vector_load %arg7[%get3A_217, %get3A_218] {strides = array<i32>} : memref<16x2048xf32, #tpu.memory_space<vmem>>, vector<1x16xf32>,
        %get3A_220 = vector.shape_cast %get3A_219 : vector<1x16xf32> to vector<16xf32>
        %add3A_221 = arith.addf %get3A_215, %get3A_220 : vector<16xf32>
        %swap3A_222 = arith.constant 7 : i32
        %swap3A_223 = arith.index_cast %swap3A_222 : i32 to index
        %swap3A_224 = arith.index_cast %mul3A_93 : i32 to index
        %swap3A_225 = tpu.vector_load %arg9[%swap3A_223, %swap3A_224] {strides = array<i32>} : memref<8x2048xf32, #tpu.memory_space<vmem>>, vector<1x16xf32>,
        %swap3A_226 = vector.shape_cast %swap3A_225 : vector<1x16xf32> to vector<16xf32>
        %swap3A_227 = vector.shape_cast %add3A_221 : vector<16xf32> to vector<1x16xf32>
        tpu.vector_store %arg9[%swap3A_223, %swap3A_224], %swap3A_227 {strides = array<i32>} : memref<8x2048xf32, #tpu.memory_space<vmem>>, vector<1x16xf32>,
        %scan3A_228 = arith.constant 0 : i32
        scf.yield %scan3A_228 : i32
      }
      %scan3A_79 = arith.constant 128 : i32
      %add3A_80 = arith.constant 1 : i32
      %add3A_81 = arith.addi %mul3A_25, %add3A_80 : i32
      %mul3A_82 = arith.constant 8 : i32
      %mul3A_83 = arith.muli %add3A_81, %mul3A_82 : i32
      %add3A_84 = arith.addi %mul3A_2, %mul3A_83 : i32
      %dma_start3A_85 = arith.constant 0 : i32
      %dma_start3A_86 = tpu.memref_slice %arg4[%add3A_84, %dma_start3A_85] : memref<8192x2048xf32, #tpu.memory_space<hbm>> -> memref<8x2048xf32, #tpu.memory_space<hbm>>
      %dma_start3A_87 = arith.constant 0 : i32
      %dma_start3A_88 = tpu.memref_slice %arg4[%add3A_84, %dma_start3A_87] : memref<8192x2048xf32, #tpu.memory_space<hbm>> -> memref<8x2048xf32, #tpu.memory_space<hbm>>
      tpu.enqueue_dma source(%arg9 : memref<8x2048xf32, #tpu.memory_space<vmem>>) target(%dma_start3A_88 : memref<8x2048xf32, #tpu.memory_space<hbm>>) target_semaphore(%arg13 : memref<!tpu.dma_semaphore, #tpu.memory_space<semaphore_mem>>)
      %scan3A_89 = arith.constant 0 : i32
      scf.yield %scan3A_89 : i32
    }
    %scan3A_14 = arith.constant 16 : i32
    %dma_wait3A = arith.constant 0 : i32
    %dma_wait3A_15 = tpu.memref_slice %arg4[%mul3A_2, %dma_wait3A] : memref<8192x2048xf32, #tpu.memory_space<hbm>> -> memref<8x2048xf32, #tpu.memory_space<hbm>>
    %dma_wait3A_16 = arith.constant 0 : i32
    %dma_wait3A_17 = tpu.memref_slice %arg4[%mul3A_2, %dma_wait3A_16] : memref<8192x2048xf32, #tpu.memory_space<hbm>> -> memref<8x2048xf32, #tpu.memory_space<hbm>>
    tpu.wait_dma2 semaphore(%arg12 : memref<!tpu.dma_semaphore, #tpu.memory_space<semaphore_mem>>) src(%arg8 : memref<8x2048xf32, #tpu.memory_space<vmem>>) dst(%dma_wait3A_17 : memref<8x2048xf32, #tpu.memory_space<hbm>>)
    %dma_wait3A_18 = arith.constant 0 : i32
    %dma_wait3A_19 = tpu.memref_slice %arg4[%mul3A_2, %dma_wait3A_18] : memref<8192x2048xf32, #tpu.memory_space<hbm>> -> memref<8x2048xf32, #tpu.memory_space<hbm>>
    %dma_wait3A_20 = arith.constant 0 : i32
    %dma_wait3A_21 = tpu.memref_slice %arg4[%mul3A_2, %dma_wait3A_20] : memref<8192x2048xf32, #tpu.memory_space<hbm>> -> memref<8x2048xf32, #tpu.memory_space<hbm>>
    tpu.wait_dma2 semaphore(%arg13 : memref<!tpu.dma_semaphore, #tpu.memory_space<semaphore_mem>>) src(%arg9 : memref<8x2048xf32, #tpu.memory_space<vmem>>) dst(%dma_wait3A_21 : memref<8x2048xf32, #tpu.memory_space<hbm>>)
    return
  }
}

#map = affine_map<(d0, d1) -> (0, 0)>
#map1 = affine_map<(d0, d1) -> (0, 0, 0)>
module attributes {stable_mosaic.version = 14 : i64} {
  func.func @k(%arg0: i32, %arg1: i32, %arg2: memref<8192x2048xf32, #tpu.memory_space<hbm>>, %arg3: memref<32x36x16xi32, #tpu.memory_space<hbm>>, %arg4: memref<18432x2048xf32, #tpu.memory_space<hbm>>, %arg5: memref<36x16xi32, #tpu.memory_space<vmem>>, %arg6: memref<16x2048xf32, #tpu.memory_space<vmem>>, %arg7: memref<16x2048xf32, #tpu.memory_space<vmem>>, %arg8: memref<!tpu.dma_semaphore, #tpu.memory_space<semaphore_mem>>, %arg9: memref<!tpu.dma_semaphore, #tpu.memory_space<semaphore_mem>>, %arg10: memref<!tpu.dma_semaphore, #tpu.memory_space<semaphore_mem>>, %arg11: memref<!tpu.dma_semaphore, #tpu.memory_space<semaphore_mem>>) attributes {dimension_semantics = [#tpu.dimension_semantics<core_parallel>, #tpu.dimension_semantics<subcore_parallel>], iteration_bounds = array<i64: 2, 16>, scalar_prefetch = 0 : i64, scratch_operands = 7 : i64, tpu.core_type = #tpu.core_type<sc_vector_subcore>, window_params = [{transform_indices = #map}, {transform_indices = #map1}, {transform_indices = #map}]} {
    %mul3A = arith.constant 2 : i32
    %mul3A_0 = arith.muli %arg1, %mul3A : i32
    %add3A = arith.addi %mul3A_0, %arg0 : i32
    "tpu.region"() ({
      %run_scoped3A = tpu.sem_alloc : memref<!tpu.dma_semaphore, #tpu.memory_space<semaphore_mem>>
      %dma_start3A_22 = arith.constant 0 : i32
      %dma_start3A_23 = arith.constant 0 : i32
      %dma_start3A_24 = tpu.memref_slice %arg3[%add3A, %dma_start3A_22, %dma_start3A_23] : memref<32x36x16xi32, #tpu.memory_space<hbm>> -> memref<1x36x16xi32, #tpu.memory_space<hbm>>
      %dma_start3A_25 = tpu.memref_squeeze %dma_start3A_24 : memref<1x36x16xi32, #tpu.memory_space<hbm>> -> memref<36x16xi32, #tpu.memory_space<hbm>>
      %dma_start3A_26 = arith.constant 0 : i32
      %dma_start3A_27 = arith.constant 0 : i32
      %dma_start3A_28 = tpu.memref_slice %arg3[%add3A, %dma_start3A_26, %dma_start3A_27] : memref<32x36x16xi32, #tpu.memory_space<hbm>> -> memref<1x36x16xi32, #tpu.memory_space<hbm>>
      %dma_start3A_29 = tpu.memref_squeeze %dma_start3A_28 : memref<1x36x16xi32, #tpu.memory_space<hbm>> -> memref<36x16xi32, #tpu.memory_space<hbm>>
      tpu.enqueue_dma source(%dma_start3A_29 : memref<36x16xi32, #tpu.memory_space<hbm>>) target(%arg5 : memref<36x16xi32, #tpu.memory_space<vmem>>) target_semaphore(%run_scoped3A : memref<!tpu.dma_semaphore, #tpu.memory_space<semaphore_mem>>)
      %dma_wait3A_30 = arith.constant 0 : i32
      %dma_wait3A_31 = arith.constant 0 : i32
      %dma_wait3A_32 = tpu.memref_slice %arg3[%add3A, %dma_wait3A_30, %dma_wait3A_31] : memref<32x36x16xi32, #tpu.memory_space<hbm>> -> memref<1x36x16xi32, #tpu.memory_space<hbm>>
      %dma_wait3A_33 = tpu.memref_squeeze %dma_wait3A_32 : memref<1x36x16xi32, #tpu.memory_space<hbm>> -> memref<36x16xi32, #tpu.memory_space<hbm>>
      %dma_wait3A_34 = arith.constant 0 : i32
      %dma_wait3A_35 = arith.constant 0 : i32
      %dma_wait3A_36 = tpu.memref_slice %arg3[%add3A, %dma_wait3A_34, %dma_wait3A_35] : memref<32x36x16xi32, #tpu.memory_space<hbm>> -> memref<1x36x16xi32, #tpu.memory_space<hbm>>
      %dma_wait3A_37 = tpu.memref_squeeze %dma_wait3A_36 : memref<1x36x16xi32, #tpu.memory_space<hbm>> -> memref<36x16xi32, #tpu.memory_space<hbm>>
      tpu.wait_dma2 semaphore(%run_scoped3A : memref<!tpu.dma_semaphore, #tpu.memory_space<semaphore_mem>>) src(%dma_wait3A_37 : memref<36x16xi32, #tpu.memory_space<hbm>>) dst(%arg5 : memref<36x16xi32, #tpu.memory_space<vmem>>)
      tpu.yield
    }) : () -> ()
    %mul3A_1 = arith.constant 576 : i32
    %mul3A_2 = arith.muli %add3A, %mul3A_1 : i32
    %dma_start3A = arith.constant 0 : i32
    %dma_start3A_3 = arith.constant 0 : i32
    %dma_start3A_4 = tpu.memref_slice %arg5[%dma_start3A, %dma_start3A_3] : memref<36x16xi32, #tpu.memory_space<vmem>> -> memref<1x16xi32, #tpu.memory_space<vmem>>
    %dma_start3A_5 = tpu.memref_squeeze %dma_start3A_4 : memref<1x16xi32, #tpu.memory_space<vmem>> -> memref<16xi32, #tpu.memory_space<vmem>>
    %dma_start3A_6 = arith.constant 0 : i32
    %dma_start3A_7 = arith.constant 0 : i32
    %dma_start3A_8 = tpu.memref_slice %arg2[%dma_start3A_6, %dma_start3A_7] : memref<8192x2048xf32, #tpu.memory_space<hbm>> -> memref<8192x2048xf32, #tpu.memory_space<hbm>>
    tpu.enqueue_indirect_dma source(%dma_start3A_8 : memref<8192x2048xf32, #tpu.memory_space<hbm>>) target(%arg6 : memref<16x2048xf32, #tpu.memory_space<vmem>>) offsets(%dma_start3A_5 : memref<16xi32, #tpu.memory_space<vmem>>) semaphore(%arg8 : memref<!tpu.dma_semaphore, #tpu.memory_space<semaphore_mem>>)
    %scan3A = arith.constant 0 : i32
    %scan3A_9 = arith.constant 0 : i32
    %scan3A_10 = arith.constant 18 : i32
    %scan3A_11 = arith.addi %scan3A_9, %scan3A_10 : i32
    %scan3A_12 = arith.constant 1 : i32
    %scan3A_13 = scf.for %scan3A_22 = %scan3A_9 to %scan3A_11 step %scan3A_12 iter_args(%scan3A_23 = %scan3A) -> (i32)  : i32 {
      %mul3A_24 = arith.constant 2 : i32
      %mul3A_25 = arith.muli %mul3A_24, %scan3A_22 : i32
      %ge3A = arith.constant 1 : i32
      %ge3A_26 = arith.cmpi sge, %scan3A_22, %ge3A : i32
      %convert_element_type3A = arith.extui %ge3A_26 : i1 to i32
      %cond3A = arith.constant 0 : i32
      %cond3A_27 = arith.cmpi ne, %convert_element_type3A, %cond3A : i32
      scf.if %cond3A_27 {
        %dma_wait3A_71 = arith.constant 0 : i32
        %dma_wait3A_72 = tpu.memref_slice %arg4[%mul3A_2, %dma_wait3A_71] : memref<18432x2048xf32, #tpu.memory_space<hbm>> -> memref<16x2048xf32, #tpu.memory_space<hbm>>
        %dma_wait3A_73 = arith.constant 0 : i32
        %dma_wait3A_74 = tpu.memref_slice %arg4[%mul3A_2, %dma_wait3A_73] : memref<18432x2048xf32, #tpu.memory_space<hbm>> -> memref<16x2048xf32, #tpu.memory_space<hbm>>
        tpu.wait_dma2 semaphore(%arg11 : memref<!tpu.dma_semaphore, #tpu.memory_space<semaphore_mem>>) src(%arg7 : memref<16x2048xf32, #tpu.memory_space<vmem>>) dst(%dma_wait3A_74 : memref<16x2048xf32, #tpu.memory_space<hbm>>)
      } else {
      }
      %add3A_28 = arith.constant 1 : i32
      %add3A_29 = arith.addi %mul3A_25, %add3A_28 : i32
      %dma_start3A_30 = arith.constant 0 : i32
      %dma_start3A_31 = tpu.memref_slice %arg5[%add3A_29, %dma_start3A_30] : memref<36x16xi32, #tpu.memory_space<vmem>> -> memref<1x16xi32, #tpu.memory_space<vmem>>
      %dma_start3A_32 = tpu.memref_squeeze %dma_start3A_31 : memref<1x16xi32, #tpu.memory_space<vmem>> -> memref<16xi32, #tpu.memory_space<vmem>>
      %dma_start3A_33 = arith.constant 0 : i32
      %dma_start3A_34 = arith.constant 0 : i32
      %dma_start3A_35 = tpu.memref_slice %arg2[%dma_start3A_33, %dma_start3A_34] : memref<8192x2048xf32, #tpu.memory_space<hbm>> -> memref<8192x2048xf32, #tpu.memory_space<hbm>>
      tpu.enqueue_indirect_dma source(%dma_start3A_35 : memref<8192x2048xf32, #tpu.memory_space<hbm>>) target(%arg7 : memref<16x2048xf32, #tpu.memory_space<vmem>>) offsets(%dma_start3A_32 : memref<16xi32, #tpu.memory_space<vmem>>) semaphore(%arg9 : memref<!tpu.dma_semaphore, #tpu.memory_space<semaphore_mem>>)
      %dma_wait3A_36 = arith.constant 0 : i32
      %dma_wait3A_37 = tpu.memref_slice %arg5[%mul3A_25, %dma_wait3A_36] : memref<36x16xi32, #tpu.memory_space<vmem>> -> memref<1x16xi32, #tpu.memory_space<vmem>>
      %dma_wait3A_38 = tpu.memref_squeeze %dma_wait3A_37 : memref<1x16xi32, #tpu.memory_space<vmem>> -> memref<16xi32, #tpu.memory_space<vmem>>
      %dma_wait3A_39 = arith.constant 0 : i32
      %dma_wait3A_40 = arith.constant 0 : i32
      %dma_wait3A_41 = tpu.memref_slice %arg2[%dma_wait3A_39, %dma_wait3A_40] : memref<8192x2048xf32, #tpu.memory_space<hbm>> -> memref<8192x2048xf32, #tpu.memory_space<hbm>>
      tpu.wait_indirect_dma semaphore(%arg8 : memref<!tpu.dma_semaphore, #tpu.memory_space<semaphore_mem>>) src(%dma_wait3A_41 : memref<8192x2048xf32, #tpu.memory_space<hbm>>) dst(%arg6 : memref<16x2048xf32, #tpu.memory_space<vmem>>)
      %mul3A_42 = arith.constant 16 : i32
      %mul3A_43 = arith.muli %mul3A_25, %mul3A_42 : i32
      %add3A_44 = arith.addi %mul3A_2, %mul3A_43 : i32
      %dma_start3A_45 = arith.constant 0 : i32
      %dma_start3A_46 = tpu.memref_slice %arg4[%add3A_44, %dma_start3A_45] : memref<18432x2048xf32, #tpu.memory_space<hbm>> -> memref<16x2048xf32, #tpu.memory_space<hbm>>
      %dma_start3A_47 = arith.constant 0 : i32
      %dma_start3A_48 = tpu.memref_slice %arg4[%add3A_44, %dma_start3A_47] : memref<18432x2048xf32, #tpu.memory_space<hbm>> -> memref<16x2048xf32, #tpu.memory_space<hbm>>
      tpu.enqueue_dma source(%arg6 : memref<16x2048xf32, #tpu.memory_space<vmem>>) target(%dma_start3A_48 : memref<16x2048xf32, #tpu.memory_space<hbm>>) target_semaphore(%arg10 : memref<!tpu.dma_semaphore, #tpu.memory_space<semaphore_mem>>)
      %lt3A = arith.constant 17 : i32
      %lt3A_49 = arith.cmpi slt, %scan3A_22, %lt3A : i32
      %convert_element_type3A_50 = arith.extui %lt3A_49 : i1 to i32
      %cond3A_51 = arith.constant 0 : i32
      %cond3A_52 = arith.cmpi ne, %convert_element_type3A_50, %cond3A_51 : i32
      scf.if %cond3A_52 {
        %dma_wait3A_71 = arith.constant 0 : i32
        %dma_wait3A_72 = tpu.memref_slice %arg4[%mul3A_2, %dma_wait3A_71] : memref<18432x2048xf32, #tpu.memory_space<hbm>> -> memref<16x2048xf32, #tpu.memory_space<hbm>>
        %dma_wait3A_73 = arith.constant 0 : i32
        %dma_wait3A_74 = tpu.memref_slice %arg4[%mul3A_2, %dma_wait3A_73] : memref<18432x2048xf32, #tpu.memory_space<hbm>> -> memref<16x2048xf32, #tpu.memory_space<hbm>>
        tpu.wait_dma2 semaphore(%arg10 : memref<!tpu.dma_semaphore, #tpu.memory_space<semaphore_mem>>) src(%arg6 : memref<16x2048xf32, #tpu.memory_space<vmem>>) dst(%dma_wait3A_74 : memref<16x2048xf32, #tpu.memory_space<hbm>>)
        %add3A_75 = arith.constant 2 : i32
        %add3A_76 = arith.addi %mul3A_25, %add3A_75 : i32
        %dma_start3A_77 = arith.constant 0 : i32
        %dma_start3A_78 = tpu.memref_slice %arg5[%add3A_76, %dma_start3A_77] : memref<36x16xi32, #tpu.memory_space<vmem>> -> memref<1x16xi32, #tpu.memory_space<vmem>>
        %dma_start3A_79 = tpu.memref_squeeze %dma_start3A_78 : memref<1x16xi32, #tpu.memory_space<vmem>> -> memref<16xi32, #tpu.memory_space<vmem>>
        %dma_start3A_80 = arith.constant 0 : i32
        %dma_start3A_81 = arith.constant 0 : i32
        %dma_start3A_82 = tpu.memref_slice %arg2[%dma_start3A_80, %dma_start3A_81] : memref<8192x2048xf32, #tpu.memory_space<hbm>> -> memref<8192x2048xf32, #tpu.memory_space<hbm>>
        tpu.enqueue_indirect_dma source(%dma_start3A_82 : memref<8192x2048xf32, #tpu.memory_space<hbm>>) target(%arg6 : memref<16x2048xf32, #tpu.memory_space<vmem>>) offsets(%dma_start3A_79 : memref<16xi32, #tpu.memory_space<vmem>>) semaphore(%arg8 : memref<!tpu.dma_semaphore, #tpu.memory_space<semaphore_mem>>)
      } else {
      }
      %add3A_53 = arith.constant 1 : i32
      %add3A_54 = arith.addi %mul3A_25, %add3A_53 : i32
      %dma_wait3A_55 = arith.constant 0 : i32
      %dma_wait3A_56 = tpu.memref_slice %arg5[%add3A_54, %dma_wait3A_55] : memref<36x16xi32, #tpu.memory_space<vmem>> -> memref<1x16xi32, #tpu.memory_space<vmem>>
      %dma_wait3A_57 = tpu.memref_squeeze %dma_wait3A_56 : memref<1x16xi32, #tpu.memory_space<vmem>> -> memref<16xi32, #tpu.memory_space<vmem>>
      %dma_wait3A_58 = arith.constant 0 : i32
      %dma_wait3A_59 = arith.constant 0 : i32
      %dma_wait3A_60 = tpu.memref_slice %arg2[%dma_wait3A_58, %dma_wait3A_59] : memref<8192x2048xf32, #tpu.memory_space<hbm>> -> memref<8192x2048xf32, #tpu.memory_space<hbm>>
      tpu.wait_indirect_dma semaphore(%arg9 : memref<!tpu.dma_semaphore, #tpu.memory_space<semaphore_mem>>) src(%dma_wait3A_60 : memref<8192x2048xf32, #tpu.memory_space<hbm>>) dst(%arg7 : memref<16x2048xf32, #tpu.memory_space<vmem>>)
      %add3A_61 = arith.constant 1 : i32
      %add3A_62 = arith.addi %mul3A_25, %add3A_61 : i32
      %mul3A_63 = arith.constant 16 : i32
      %mul3A_64 = arith.muli %add3A_62, %mul3A_63 : i32
      %add3A_65 = arith.addi %mul3A_2, %mul3A_64 : i32
      %dma_start3A_66 = arith.constant 0 : i32
      %dma_start3A_67 = tpu.memref_slice %arg4[%add3A_65, %dma_start3A_66] : memref<18432x2048xf32, #tpu.memory_space<hbm>> -> memref<16x2048xf32, #tpu.memory_space<hbm>>
      %dma_start3A_68 = arith.constant 0 : i32
      %dma_start3A_69 = tpu.memref_slice %arg4[%add3A_65, %dma_start3A_68] : memref<18432x2048xf32, #tpu.memory_space<hbm>> -> memref<16x2048xf32, #tpu.memory_space<hbm>>
      tpu.enqueue_dma source(%arg7 : memref<16x2048xf32, #tpu.memory_space<vmem>>) target(%dma_start3A_69 : memref<16x2048xf32, #tpu.memory_space<hbm>>) target_semaphore(%arg11 : memref<!tpu.dma_semaphore, #tpu.memory_space<semaphore_mem>>)
      %scan3A_70 = arith.constant 0 : i32
      scf.yield %scan3A_70 : i32
    }
    %scan3A_14 = arith.constant 18 : i32
    %dma_wait3A = arith.constant 0 : i32
    %dma_wait3A_15 = tpu.memref_slice %arg4[%mul3A_2, %dma_wait3A] : memref<18432x2048xf32, #tpu.memory_space<hbm>> -> memref<16x2048xf32, #tpu.memory_space<hbm>>
    %dma_wait3A_16 = arith.constant 0 : i32
    %dma_wait3A_17 = tpu.memref_slice %arg4[%mul3A_2, %dma_wait3A_16] : memref<18432x2048xf32, #tpu.memory_space<hbm>> -> memref<16x2048xf32, #tpu.memory_space<hbm>>
    tpu.wait_dma2 semaphore(%arg10 : memref<!tpu.dma_semaphore, #tpu.memory_space<semaphore_mem>>) src(%arg6 : memref<16x2048xf32, #tpu.memory_space<vmem>>) dst(%dma_wait3A_17 : memref<16x2048xf32, #tpu.memory_space<hbm>>)
    %dma_wait3A_18 = arith.constant 0 : i32
    %dma_wait3A_19 = tpu.memref_slice %arg4[%mul3A_2, %dma_wait3A_18] : memref<18432x2048xf32, #tpu.memory_space<hbm>> -> memref<16x2048xf32, #tpu.memory_space<hbm>>
    %dma_wait3A_20 = arith.constant 0 : i32
    %dma_wait3A_21 = tpu.memref_slice %arg4[%mul3A_2, %dma_wait3A_20] : memref<18432x2048xf32, #tpu.memory_space<hbm>> -> memref<16x2048xf32, #tpu.memory_space<hbm>>
    tpu.wait_dma2 semaphore(%arg11 : memref<!tpu.dma_semaphore, #tpu.memory_space<semaphore_mem>>) src(%arg7 : memref<16x2048xf32, #tpu.memory_space<vmem>>) dst(%dma_wait3A_21 : memref<16x2048xf32, #tpu.memory_space<hbm>>)
    return
  }
}

module attributes {stable_mosaic.version = 14 : i64} {
  func.func @_tc_glu_body(%arg0: i32, %arg1: memref<144xi32, #tpu.memory_space<smem>>, %arg2: memref<1xi32, #tpu.memory_space<smem>>, %arg3: memref<128x2048xf32, #tpu.memory_space<vmem>>, %arg4: memref<1x512x2048xf32, #tpu.memory_space<vmem>>, %arg5: memref<1x512x2048xf32, #tpu.memory_space<vmem>>, %arg6: memref<1x2048x512xf32, #tpu.memory_space<vmem>>, %arg7: memref<1x1x128xf32, #tpu.memory_space<vmem>>, %arg8: memref<128x2048xf32, #tpu.memory_space<vmem>>) attributes {dimension_semantics = [#tpu.dimension_semantics<arbitrary>], iteration_bounds = array<i64: 144>, scalar_prefetch = 2 : i64, scratch_operands = 0 : i64, tpu.core_type = #tpu.core_type<tc>, window_params = [{transform_indices = @transform_0, window_bounds = array<i64: 128, 2048>}, {transform_indices = @transform_1, window_bounds = array<i64: 1, 512, 2048>}, {transform_indices = @transform_2, window_bounds = array<i64: 1, 512, 2048>}, {transform_indices = @transform_3, window_bounds = array<i64: 1, 2048, 512>}, {transform_indices = @transform_4, window_bounds = array<i64: 1, 1, 128>}, {transform_indices = @transform_5, window_bounds = array<i64: 128, 2048>}]} {
    %get3A = arith.constant 0 : index
    %get3A_0 = memref.load %arg2[%get3A] : memref<1xi32, #tpu.memory_space<smem>>
    %lt3A = arith.cmpi slt, %arg0, %get3A_0 : i32
    %convert_element_type3A = arith.extui %lt3A : i1 to i32
    %cond3A = arith.constant 0 : i32
    %cond3A_1 = arith.cmpi ne, %convert_element_type3A, %cond3A : i32
    scf.if %cond3A_1 {
      %get3A_2 = arith.constant 0 : index
      %get3A_3 = arith.constant 0 : index
      %get3A_4 = vector.load %arg3[%get3A_2, %get3A_3] : memref<128x2048xf32, #tpu.memory_space<vmem>>, vector<128x2048xf32>
      %get3A_5 = arith.constant 0 : index
      %get3A_6 = arith.constant 0 : index
      %get3A_7 = arith.constant 0 : index
      %get3A_8 = vector.load %arg4[%get3A_5, %get3A_6, %get3A_7] : memref<1x512x2048xf32, #tpu.memory_space<vmem>>, vector<1x512x2048xf32>
      %get3A_9 = vector.shape_cast %get3A_8 : vector<1x512x2048xf32> to vector<512x2048xf32>
      %dot_general3A = arith.constant dense<0.000000e+00> : vector<128x512xf32>
      %dot_general3A_10 = tpu.matmul %get3A_4, %get3A_9, %dot_general3A {dimension_numbers = #tpu.dot_dimension_numbers<[1], [1], [0], [0], [0, 0, 1, 0], [], []>, transpose_lhs_hint = false} : vector<128x2048xf32>, vector<512x2048xf32>, vector<128x512xf32> -> vector<128x512xf32>
      %get3A_11 = arith.constant 0 : index
      %get3A_12 = arith.constant 0 : index
      %get3A_13 = arith.constant 0 : index
      %get3A_14 = vector.load %arg5[%get3A_11, %get3A_12, %get3A_13] : memref<1x512x2048xf32, #tpu.memory_space<vmem>>, vector<1x512x2048xf32>
      %get3A_15 = vector.shape_cast %get3A_14 : vector<1x512x2048xf32> to vector<512x2048xf32>
      %dot_general3A_16 = arith.constant dense<0.000000e+00> : vector<128x512xf32>
      %dot_general3A_17 = tpu.matmul %get3A_4, %get3A_15, %dot_general3A_16 {dimension_numbers = #tpu.dot_dimension_numbers<[1], [1], [0], [0], [0, 0, 1, 0], [], []>, transpose_lhs_hint = false} : vector<128x2048xf32>, vector<512x2048xf32>, vector<128x512xf32> -> vector<128x512xf32>
      %logistic3A = arith.negf %dot_general3A_10 : vector<128x512xf32>
      %logistic3A_18 = math.exp %logistic3A : vector<128x512xf32>
      %logistic3A_19 = arith.constant 1.000000e+00 : f32
      %logistic3A_20 = vector.broadcast %logistic3A_19 : f32 to vector<128x512xf32>
      %logistic3A_21 = arith.addf %logistic3A_20, %logistic3A_18 : vector<128x512xf32>
      %logistic3A_22 = arith.divf %logistic3A_20, %logistic3A_21 : vector<128x512xf32>
      %mul3A = arith.mulf %dot_general3A_10, %logistic3A_22 : vector<128x512xf32>
      %mul3A_23 = arith.mulf %mul3A, %dot_general3A_17 : vector<128x512xf32>
      %get3A_24 = arith.constant 0 : index
      %get3A_25 = arith.constant 0 : index
      %get3A_26 = arith.constant 0 : index
      %get3A_27 = vector.load %arg6[%get3A_24, %get3A_25, %get3A_26] : memref<1x2048x512xf32, #tpu.memory_space<vmem>>, vector<1x2048x512xf32>
      %get3A_28 = vector.shape_cast %get3A_27 : vector<1x2048x512xf32> to vector<2048x512xf32>
      %dot_general3A_29 = arith.constant dense<0.000000e+00> : vector<128x2048xf32>
      %dot_general3A_30 = tpu.matmul %mul3A_23, %get3A_28, %dot_general3A_29 {dimension_numbers = #tpu.dot_dimension_numbers<[1], [1], [0], [0], [0, 0, 1, 0], [], []>, transpose_lhs_hint = false} : vector<128x512xf32>, vector<2048x512xf32>, vector<128x2048xf32> -> vector<128x2048xf32>
      %get3A_31 = arith.constant 0 : index
      %get3A_32 = arith.constant 0 : index
      %get3A_33 = arith.constant 0 : index
      %get3A_34 = vector.load %arg7[%get3A_31, %get3A_32, %get3A_33] : memref<1x1x128xf32, #tpu.memory_space<vmem>>, vector<1x1x128xf32>
      %get3A_35 = vector.shape_cast %get3A_34 : vector<1x1x128xf32> to vector<128xf32>
      %broadcast_in_dim3A = vector.shape_cast %get3A_35 : vector<128xf32> to vector<128x1xf32>
      %mul3A_36 = vector.broadcast %broadcast_in_dim3A : vector<128x1xf32> to vector<128x2048xf32>
      %mul3A_37 = arith.mulf %dot_general3A_30, %mul3A_36 : vector<128x2048xf32>
      %swap3A = arith.constant 0 : index
      %swap3A_38 = arith.constant 0 : index
      %swap3A_39 = vector.load %arg8[%swap3A, %swap3A_38] : memref<128x2048xf32, #tpu.memory_space<vmem>>, vector<128x2048xf32>
      tpu.vector_store %arg8[%swap3A, %swap3A_38], %mul3A_37 {strides = array<i32>} : memref<128x2048xf32, #tpu.memory_space<vmem>>, vector<128x2048xf32>,
    } else {
    }
    return
  }
  func.func @transform_0(%arg0: i32, %arg1: memref<144xi32, #tpu.memory_space<smem>>, %arg2: memref<1xi32, #tpu.memory_space<smem>>) -> (i32, i32) {
    %c0_i32 = arith.constant 0 : i32
    %c0_i32_0 = arith.constant 0 : i32
    return %arg0, %c0_i32 : i32, i32
  }
  func.func @transform_1(%arg0: i32, %arg1: memref<144xi32, #tpu.memory_space<smem>>, %arg2: memref<1xi32, #tpu.memory_space<smem>>) -> (i32, i32, i32) {
    %get3A = arith.index_cast %arg0 : i32 to index
    %get3A_0 = memref.load %arg1[%get3A] : memref<144xi32, #tpu.memory_space<smem>>
    %c0_i32 = arith.constant 0 : i32
    %c0_i32_1 = arith.constant 0 : i32
    %c0_i32_2 = arith.constant 0 : i32
    return %get3A_0, %c0_i32, %c0_i32_1 : i32, i32, i32
  }
  func.func @transform_2(%arg0: i32, %arg1: memref<144xi32, #tpu.memory_space<smem>>, %arg2: memref<1xi32, #tpu.memory_space<smem>>) -> (i32, i32, i32) {
    %get3A = arith.index_cast %arg0 : i32 to index
    %get3A_0 = memref.load %arg1[%get3A] : memref<144xi32, #tpu.memory_space<smem>>
    %c0_i32 = arith.constant 0 : i32
    %c0_i32_1 = arith.constant 0 : i32
    %c0_i32_2 = arith.constant 0 : i32
    return %get3A_0, %c0_i32, %c0_i32_1 : i32, i32, i32
  }
  func.func @transform_3(%arg0: i32, %arg1: memref<144xi32, #tpu.memory_space<smem>>, %arg2: memref<1xi32, #tpu.memory_space<smem>>) -> (i32, i32, i32) {
    %get3A = arith.index_cast %arg0 : i32 to index
    %get3A_0 = memref.load %arg1[%get3A] : memref<144xi32, #tpu.memory_space<smem>>
    %c0_i32 = arith.constant 0 : i32
    %c0_i32_1 = arith.constant 0 : i32
    %c0_i32_2 = arith.constant 0 : i32
    return %get3A_0, %c0_i32, %c0_i32_1 : i32, i32, i32
  }
  func.func @transform_4(%arg0: i32, %arg1: memref<144xi32, #tpu.memory_space<smem>>, %arg2: memref<1xi32, #tpu.memory_space<smem>>) -> (i32, i32, i32) {
    %c0_i32 = arith.constant 0 : i32
    %c0_i32_0 = arith.constant 0 : i32
    %c0_i32_1 = arith.constant 0 : i32
    return %arg0, %c0_i32, %c0_i32_0 : i32, i32, i32
  }
  func.func @transform_5(%arg0: i32, %arg1: memref<144xi32, #tpu.memory_space<smem>>, %arg2: memref<1xi32, #tpu.memory_space<smem>>) -> (i32, i32) {
    %c0_i32 = arith.constant 0 : i32
    %c0_i32_0 = arith.constant 0 : i32
    return %arg0, %c0_i32 : i32, i32
  }
}

</mosaic_0001>

<sc_bundles>
// kernel: kernel.5.cloned.1.call-start
scs
__scs_entry_jumppad:
0x0: {  	(pc) =	sbr.rel $0x88, $3  }
0x1: {  	(tag) =	ssettag $0x0;
	lr =	simm.s32 $0x1  }
0x2: {  	[smem:$0x3F9B] =	sst lr;
	_ =	strace $0xD0000000  }
0x3: {  	_ = 	snop  }
0x4: {  	_ = 	snop  }
0x5: {  	_ = 	snop  }
0x6: {  	_ = 	snop  }
0x7: {  	_ = 	snop  }
__scs_overlays_trampoline_lowered:
0x8: {  	[smem:$0x3FAA] =	sst s0  }
0x9: {  	[smem:$0x3FAB] =	sst s1  }
0xa: {  	[smem:$0x3FAC] =	sst s2  }
0xb: {  	[smem:$0x3FAD] =	sst s3  }
0xc: {  	[smem:$0x3FAE] =	sst s4  }
0xd: {  	[smem:$0x3FAF] =	sst s5  }
0xe: {  	[smem:$0x3FB0] =	sst s6  }
0xf: {  	[smem:$0x3FB1] =	sst s7  }
0x10: {  	[smem:$0x3FB2] =	sst s8  }
0x11: {  	[smem:$0x3FB3] =	sst s9;
	s0 =	simm.s32 @!p0 $0x0  }
0x12: {  	s1 =	sld [smem:$0x3F99];
	s0 =	simm.s32 @p0 $0x1  }
0x13: {  	[smem:$0x3FB4] =	sst s0;
	s0 =	simm.s32 @!p1 $0x0  }
0x14: {  	s2 =	sld [smem:$0x3F98];
	s0 =	simm.s32 @p1 $0x1  }
0x15: {  	[smem:$0x3FB5] =	sst s0;
	s0 =	simm.s32 @!p2 $0x0  }
0x16: {  	s3 =	sld [smem:$0x3FDB];
	s0 =	simm.s32 @p2 $0x1  }
0x17: {  	s4 =	simm.s32 $0x1BF5;
	[smem:$0x3FB7] =	sst s0  }
0x18: {  	s0 =	sld [smem:$0x3F9A];
	_ =	swait.ge [sflag:s4], $0x0  }
0x19: {  	s7 =	sld [smem:$0x3F9B]  }
0x1a: {  	s8 =	sadd.s32 $0xFFFFE003, lr  }
0x1b: {  	s9 =	sadd.s32 $0xFFFFFEF7, lr;
	s5 =	simm.s32 $0xFFFFFFFF;
	p2 =	slt.u32 s8, $0xFFFFF086  }
0x1c: {  	p1 =	slt.u32 s9, $0xF7A;
	s5 =	simm.s32 @!p2 $0x0  }
0x1d: {  	s5 =	simm.s32 @p1 $0x1;
	p0 =	seq.s32 s7, s2  }
0x1e: {  	s7 =	smul.u32 @!p0 $0xF7A, s2;
	p2 =	seq.s32 @!p0 s5, $0x0  }
0x1f: {  	s9 =	smul.u32 $0xF7A, s1;
	s8 =	simm.s32 @!p0 $0x1BF5;
	p2 =	por !p2, p0  }
0x20: {  	[sflag:s8] =	ssyncset.s32 @!p0 $0xFFFFF086;
	s6 =	sadd.s32 @!p0 s3, s7;
	s7 =	simm.s32 @!p0 $0x108  }
0x21: {  	s3 =	sadd.s32 s3, s9;
	s6 =	sadd.s32 @!p0 $0x88, s6;
	s7 =	simm.s32 @p2 $0x1082  }
0x22: {  	[simem:s7], [sflag:s8] =	dma.local @!p0 [hbm:s6], $0xF7A  }
0x23: {  	s9 =	sor.u32 $0xD0000000, s2;
	s6 =	simm.s32 $0x108;
	_ =	swait.ge @!p0 [sflag:s8], $0x0  }
0x24: {  	s3 =	sadd.s32 $0x88, s3;
	s6 =	simm.s32 @!p1 $0x1082;
	[sflag:s4] =	ssyncset.s32 $0xFFFFF086  }
0x25: {  	[simem:s6], [sflag:s4] =	dma.local [hbm:s3], $0xF7A  }
0x26: {  	[smem:$0x3F9B] =	sst s1;
	(tag) =	ssettag s2;
	_ =	strace s9  }
0x27: {  	s1 =	sld [smem:$0x3FAB]  }
0x28: {  	s2 =	sld [smem:$0x3FAC]  }
0x29: {  	s4 =	sld [smem:$0x3FAE]  }
0x2a: {  	p0 =	seq.s32 s5, $0x0;
	s5 =	sld [smem:$0x3FAF]  }
0x2b: {  	s6 =	sld [smem:$0x3FB0]  }
0x2c: {  	s7 =	sld [smem:$0x3FB1]  }
0x2d: {  	s3 =	simm.s32 $0x108;
	s8 =	sld [smem:$0x3FB2]  }
0x2e: {  	s3 =	simm.s32 @!p0 $0x1082;
	s9 =	sld [smem:$0x3FB3]  }
0x2f: {  	lr =	sadd.s32 s0, s3;
	s0 =	sld [smem:$0x3FAA]  }
0x30: {  	s3 =	sld [smem:$0x3FAD]  }
0x31: {  	[smem:$0x3FB6] =	sst s10  }
0x32: {  	s10 =	sld [smem:$0x3FB4];
	_ =	sdelay $0x3  }
0x33: {  	p0 =	seq.s32 s10, $0x1;
	s10 =	sld [smem:$0x3FB6];
	_ =	sdelay $0x3  }
0x34: {  	[smem:$0x3FB6] =	sst s10  }
0x35: {  	s10 =	sld [smem:$0x3FB5];
	_ =	sdelay $0x3  }
0x36: {  	p1 =	seq.s32 s10, $0x1;
	s10 =	sld [smem:$0x3FB6];
	_ =	sdelay $0x3  }
0x37: {  	[smem:$0x3FB6] =	sst s10  }
0x38: {  	s10 =	sld [smem:$0x3FB7]  }
0x39: {  	_ = 	snop;
	(pc) =	sbr.ind lr, $3  }
0x3a: {  	_ = 	snop  }
0x3b: {  	_ = 	snop  }
0x3c: {  	p2 =	seq.s32 s10, $0x1;
	s10 =	sld [smem:$0x3FB6]  }
0x3d: {  	_ =	shalt  }
0x3e: {  	_ =	shalt  }
0x3f: {  	_ =	shalt  }
0x40: {  	_ =	shalt  }
0x41: {  	_ =	shalt  }
0x42: {  	_ =	shalt  }
0x43: {  	_ =	shalt  }
0x44: {  	_ =	shalt  }
0x45: {  	_ =	shalt  }
0x46: {  	_ =	shalt  }
0x47: {  	_ =	shalt  }
0x48: {  	_ =	shalt  }
0x49: {  	_ =	shalt  }
0x4a: {  	_ =	shalt  }
0x4b: {  	_ =	shalt  }
0x4c: {  	_ =	shalt  }
0x4d: {  	_ =	shalt  }
0x4e: {  	_ =	shalt  }
0x4f: {  	_ =	shalt  }
0x50: {  	_ =	shalt  }
0x51: {  	_ =	shalt  }
0x52: {  	_ =	shalt  }
0x53: {  	_ =	shalt  }
0x54: {  	_ =	shalt  }
0x55: {  	_ =	shalt  }
0x56: {  	_ =	shalt  }
0x57: {  	_ =	shalt  }
0x58: {  	_ =	shalt  }
0x59: {  	_ =	shalt  }
0x5a: {  	_ =	shalt  }
0x5b: {  	_ =	shalt  }
0x5c: {  	_ =	shalt  }
0x5d: {  	_ =	shalt  }
0x5e: {  	_ =	shalt  }
0x5f: {  	_ =	shalt  }
0x60: {  	_ =	shalt  }
0x61: {  	_ =	shalt  }
0x62: {  	_ =	shalt  }
0x63: {  	_ =	shalt  }
0x64: {  	_ =	shalt  }
0x65: {  	_ =	shalt  }
0x66: {  	_ =	shalt  }
0x67: {  	_ =	shalt  }
0x68: {  	_ =	shalt  }
0x69: {  	_ =	shalt  }
0x6a: {  	_ =	shalt  }
0x6b: {  	_ =	shalt  }
0x6c: {  	_ =	shalt  }
0x6d: {  	_ =	shalt  }
0x6e: {  	_ =	shalt  }
0x6f: {  	_ =	shalt  }
0x70: {  	_ =	shalt  }
0x71: {  	_ =	shalt  }
0x72: {  	_ =	shalt  }
0x73: {  	_ =	shalt  }
0x74: {  	_ =	shalt  }
0x75: {  	_ =	shalt  }
0x76: {  	_ =	shalt  }
0x77: {  	_ =	shalt  }
0x78: {  	_ =	shalt  }
0x79: {  	_ =	shalt  }
0x7a: {  	_ =	shalt  }
0x7b: {  	_ =	shalt  }
0x7c: {  	_ =	shalt  }
0x7d: {  	_ =	shalt  }
0x7e: {  	_ =	shalt  }
0x7f: {  	_ =	shalt  }
0x80: {  	_ =	shalt  }
0x81: {  	_ =	shalt  }
0x82: {  	_ =	shalt  }
0x83: {  	_ =	shalt  }
0x84: {  	_ =	shalt  }
0x85: {  	_ =	shalt  }
0x86: {  	_ =	shalt  }
0x87: {  	_ =	shalt  }
.Lfunc_end0:
.L_simem_size_0:
called_computation_lowered:
.L_overlay_start_0:
0x88: {  	s2 =	sld [smem:$0x3FD9]  }
0x89: {  	s3 =	sld [smem:$0x3FFE];
	_ =	sdelay $0x1  }
0x8a: {  	s1 =	srdreg.scid  }
0x8b: {  	s0 =	sand.u32 $0x1, s1  }
0x8c: {  	s17 =	sshll.u32 s0, $0xA;
	s2 =	sadd.s32 s3, s2  }
0x8d: {  	s2 =	sadd.s32 s2, s17  }
0x8e: {  	[smem:$0x3FC2] =	sst s2  }
0x8f: {  	_ = 	snop  }
0x90: {  	s2 =	sld [smem:$0x3FC9];
	(tm) =	ssettm $0x1  }
0x91: {  	s18 =	sld [smem:$0x3FFB];
	_ =	sdelay $0x3  }
0x92: {  	_ =	strace s18  }
0x93: {  	s3 =	sld [smem:$0x3FFC];
	_ =	sdelay $0x3  }
0x94: {  	_ =	strace s3  }
0x95: {  	s3 =	sld [smem:$0x3FFD];
	_ =	sdelay $0x3  }
0x96: {  	_ =	strace s3  }
0x97: {  	_ =	strace $0x8FFFFFFF  }
0x98: {  	s19 =	sld [smem:$0x3FDB];
	_ =	sdelay $0x1  }
0x99: {  	s4 =	simm.s32 $_scs_section_size  }
0x9a: {  	s5 =	simm.s32 $_size__tile_overlayer_lowered;
	s6 =	simm.s32 $_tile_overlayer_lowered  }
0x9b: {  	s22 =	simm.s32 $0x1BFF;
	s21 =	sshll.u32 s6, $0x1;
	s3 =	sadd.s32 s4, s19  }
0x9c: {  	s7 =	simm.s32 $0x0;
	s20 =	sshll.u32 s5, $0x1;
	s5 =	sadd.s32 s21, s3  }
0x9d: {  	[timem:s7], [sflag:s22] =	dma.local [hbm:s5], s20  }
0x9e: {  	_ =	swait.ge [sflag:s22], s20  }
0x9f: {  	s4 =	ssub.s32 $0x0, s20;
	[sflag:s22] =	ssyncset.done $0x0  }
0xa0: {  	[sflag:s22] =	ssyncadd.s32 s4;
	_ =	sdelay $0x1  }
0xa1: {  	s23 =	simm.s32 $0x1B8B  }
0xa2: {  	_ =	swait.ge [sflag:s23], $0x1  }
0xa3: {  	[sflag:s23] =	ssyncset.done $0x0  }
0xa4: {  	s25 =	simm.s32 $0x1B8E;
	s24 =	sld [smem:$0x3FFE];
	[sflag:s23] =	ssyncadd.s32 $0xFFFFFFFF  }
0xa5: {  	s26 =	simm.s32 $execute0_lowered;
	[smem:$0x3FD2] =	sst s25  }
0xa6: {  	s5 =	sshll.u32 s26, $0x1;
	_ =	strace $0x80000046;
	[dreg:$0x1] =	wrdreg $0xFFFFFFFF  }
0xa7: {  	s28 =	simm.s32 $_size_execute0_lowered;
	s3 =	sadd.s32 s3, s5;
	[dreg:$0x0] =	wrdreg $0x0  }
0xa8: {  	s5 =	sshll.u32 s28, $0x1;
	[dreg:$0x2] =	wrdreg s3  }
0xa9: {  	[dreg:$0x3] =	wrdreg s5  }
0xaa: {  	[dreg:$0x4] =	wrdreg $0xC0  }
0xab: {  	_ =	task [dreg:s7], $0x5FFFF  }
0xac: {  	[dreg:$0x1] =	wrdreg $0xFFFFFFFF  }
0xad: {  	[dreg:$0x0] =	wrdreg $0x60  }
0xae: {  	[dreg:$0x2] =	wrdreg s2  }
0xaf: {  	[dreg:$0x3] =	wrdreg s24  }
0xb0: {  	[dreg:$0x4] =	wrdreg $0x9  }
0xb1: {  	_ =	task.clear_ibuf [dreg:s7], $0x5FFFF;
	_ =	strace $0x90000046  }
0xb2: {  	s29 =	simm.s32 $0x9;
	_ =	strace $0x80000048  }
0xb3: {  	_ =	swait.ge [sflag:s29], $0x1  }
0xb4: {  	[sflag:s29] =	ssyncadd.s32 $0xFFFFFFFF  }
0xb5: {  	_ =	strace $0x90000048  }
0xb6: {  	_ =	sfence  }
0xb7: {  	s30 =	sld [smem:$0x0];
	_ =	sdelay $0x2  }
0xb8: {  	s31 =	sshll.u32 s1, $0xD;
	s1 =	sshrl.u32 s1, $0x2  }
0xb9: {  	s3 =	sand.u32 $0x4000, s31;
	s1 =	sadd.s32 s1, s30  }
0xba: {  	s0 =	sor.u32 s3, s0;
	s1 =	sshll.u32 s1, $0x11  }
0xbb: {  	s0 =	sor.u32 s1, s0  }
0xbc: {  	s0 =	sadd.s32 $0x8F2B, s0  }
0xbd: {  	[sflag:s0] =	ssyncadd.remote.s32 $0x1  }
0xbe: {  	_ =	sfence.sel $0xFFFF  }
0xbf: {  	[dreg:$0x0] =	wrdreg $0xFFFFFFFF;
	(pc) =	sbr.abs _section_cstart, $3  }
0xc0: {  	[dreg:$0x1] =	wrdreg $0xFFFFFFFF  }
0xc1: {  	_ =	task.clear_ibuf [dreg:s7], $0x2FFFF;
	_ =	strace $0x9FFFFFFF  }
0xc2: {  	(tm) =	ssettm $0x7FFFFFFF  }
0xc3: {  	_ =	shalt  }
tec
execute0_lowered:
.L_overlay_start_1:
0x0: {  	(tag) =	ssettag $0x1  }
0x1: {  	s2 =	rddreg [dreg:$0x0]  }
0x2: {  	s0 =	srdreg.scid;
	s6 =	stileid.u32  }
0x3: {  	s1 =	rddreg [dreg:$0x1];
	s3 =	simm.s32 $0x0;
	s13 =	simm.s32 $0xA400  }
0x4: {  	s14 =	simm.s32 $0xAC00;
	s15 =	simm.s32 $0xB400;
	s16 =	simm.s32 $0xBC00  }
0x5: {  	s17 =	simm.s32 $0xC400;
	s18 =	simm.s32 $0xCC00;
	[smem:$0x7FF] =	sst s3  }
0x6: {  	s19 =	simm.s32 $0xD400;
	_ =	strace $0x80000047;
	[dreg:$0x6] =	wrdreg s13  }
0x7: {  	s20 =	simm.s32 $0xDC00;
	s21 =	simm.s32 $0xE400;
	[dreg:$0x7] =	wrdreg s14  }
0x8: {  	s22 =	simm.s32 $0xEC00;
	s23 =	simm.s32 $0xF400;
	[dreg:$0x8] =	wrdreg s15  }
0x9: {  	s24 =	simm.s32 $0xFC00;
	s25 =	simm.s32 $0x10400;
	[dreg:$0x9] =	wrdreg s16  }
0xa: {  	s28 =	simm.s32 $0x7C00;
	s29 =	simm.s32 $0x8400;
	[dreg:$0xa] =	wrdreg s17  }
0xb: {  	s30 =	simm.s32 $0x8C00;
	s31 =	simm.s32 $0x9400;
	[dreg:$0xb] =	wrdreg s18  }
0xc: {  	s0 =	sand.u32 $0x1, s0;
	s4 =	sshll.u32 s6, $0x1;
	[dreg:$0xc] =	wrdreg s19  }
0xd: {  	s7 =	smul.u32 $0x240000, s6;
	s6 =	sadd.s32 $0x200, s2;
	[dreg:$0xd] =	wrdreg s20  }
0xe: {  	s8 =	sadd.s32 $0x400, s2;
	s11 =	sadd.s32 $0x700, s2;
	[dreg:$0xe] =	wrdreg s21  }
0xf: {  	s4 =	sor.u32 s0, s4;
	s5 =	ssub.s32 $0x2, s0;
	[dreg:$0xf] =	wrdreg s22  }
0x10: {  	s0 =	smul.u32 $0x120000, s0;
	s13 =	simm.s32 $0x5;
	[dreg:$0x10] =	wrdreg s23  }
0x11: {  	s14 =	simm.s32 $0x1400;
	s22 =	simm.s32 $0x5400;
	[dreg:$0x11] =	wrdreg s24  }
0x12: {  	s23 =	simm.s32 $0x5C00;
	s24 =	simm.s32 $0x6400;
	[dreg:$0x12] =	wrdreg s25  }
0x13: {  	s25 =	simm.s32 $0x6C00;
	s15 =	simm.s32 $0x3;
	s16 =	simm.s32 $0x4  }
0x14: {  	s17 =	simm.s32 $0x0;
	s4 =	smul.u32 $0x280, s4;
	s26 =	sshrl.u32 s5, $0x1  }
0x15: {  	s12 =	ssub.s32 s5, s26;
	s5 =	sadd.s32 $0x100, s2;
	s0 =	sadd.s32 s0, s7  }
0x16: {  	s7 =	sadd.s32 $0x300, s2;
	s26 =	simm.s32 $0x10C00;
	s4 =	sadd.s32 s4, s1  }
0x17: {  	s1 =	sadd.s32 $0x6200, s1;
	s9 =	sshrl.u32 s0, $0x3;
	s0 =	sor.u32 $0x8000, s0  }
0x18: {  	s12 =	smax.u32 s12, $0x1;
	[dreg:$0x13] =	wrdreg s26;
	s26 =	simm.s32 $0x7400  }
0x19: {  	s4 =	sadd.s32 $0x1200, s4;
	s10 =	sadd.s32 s9, s1;
	s0 =	sshrl.u32 s0, $0x3  }
0x1a: {  	v2 =	vlaneseq.u32;
	s9 =	sadd.s32 $0x500, s2;
	[dreg:$0x3] =	wrdreg s10;
	s0 =	sadd.s32 s0, s1  }
0x1b: {  	vm0 =	vmmov $0xffff;
	v1 =	vshrl.u32 v2, $0x3;
	s10 =	sadd.s32 $0x600, s2;
	s1 =	simm.s32 $0x9C00;
	[dreg:$0x4] =	wrdreg s0  }
0x1c: {  	v0 =	vand.u32 $0x7, v2;
	v2 =	vor.u32 $0x8, v2;
	v1 =	vmul.u32 $0x8, v1;
	[dreg:$0x5] =	wrdreg s1;
	s1 =	simm.s32 $0x1;
	s0 =	simm.s32 $0x2  }
.LBB2_1:
0x1d: {  	[tilespmem:s3], [sflag:$0x5] =	stream.linear.gather [hbm4b:s4+s3], $0x1200, $0x38;
	[tilespmem:$0x11400] =	vst v63  }
0x1e: {  	_ =	swait.ge [sflag:s13], $0x1200  }
0x1f: {  	[sflag:s13] =	ssyncset.done $0x0  }
0x20: {  	[sflag:s13] =	ssyncadd.s32 $0xFFFFEE00  }
0x21: {  	v3 =	vld [tilespmem:$0x0];
	_ =	sdelay $0x4  }
0x22: {  	v4 =	vshll.u32 v3, $0x4  }
0x23: {  	v3 =	vand.u32 $0x7, v3;
	v4 =	vand.u32 $0xFFFFFF80, v4  }
0x24: {  	v3 =	vor.u32 v3, v4  }
0x25: {  	v4 =	vperm.xlane v3, v0;
	_ =	sdelay $0x1  }
0x26: {  	v4 =	vadd.s32 v1, v4;
	_ =	sdelay $0x4  }
0x27: {  	[tilespmem:s14], [sflag:$0x1] =	stream.indirect_vreg.gather [hbm4b:s2+s3], $0x80, v4, vm0, $0xb8;
	[tilespmem:$0x11400] =	vst v63  }
0x28: {  	s18 =	simm.s32 $0x1C00  }
0x29: {  	[tilespmem:s18], [sflag:$0x1] =	stream.indirect_vreg.gather [hbm4b:s5+s3], $0x80, v4, vm0, $0xb8;
	[tilespmem:$0x11400] =	vst v63  }
0x2a: {  	s19 =	simm.s32 $0x2400  }
0x2b: {  	[tilespmem:s19], [sflag:$0x1] =	stream.indirect_vreg.gather [hbm4b:s6+s3], $0x80, v4, vm0, $0xb8;
	[tilespmem:$0x11400] =	vst v63  }
0x2c: {  	s20 =	simm.s32 $0x2C00  }
0x2d: {  	[tilespmem:s20], [sflag:$0x1] =	stream.indirect_vreg.gather [hbm4b:s7+s3], $0x80, v4, vm0, $0xb8;
	[tilespmem:$0x11400] =	vst v63  }
0x2e: {  	s21 =	simm.s32 $0x3400  }
0x2f: {  	[tilespmem:s21], [sflag:$0x1] =	stream.indirect_vreg.gather [hbm4b:s8+s3], $0x80, v4, vm0, $0xb8;
	[tilespmem:$0x11400] =	vst v63  }
0x30: {  	v3 =	vperm.xlane v3, v2;
	s19 =	simm.s32 $0x3C00  }
0x31: {  	[tilespmem:s19], [sflag:$0x1] =	stream.indirect_vreg.gather [hbm4b:s9+s3], $0x80, v4, vm0, $0xb8;
	[tilespmem:$0x11400] =	vst v63  }
0x32: {  	v3 =	vadd.s32 v1, v3;
	s20 =	simm.s32 $0x4400  }
0x33: {  	[tilespmem:s20], [sflag:$0x1] =	stream.indirect_vreg.gather [hbm4b:s10+s3], $0x80, v4, vm0, $0xb8;
	[tilespmem:$0x11400] =	vst v63  }
0x34: {  	s21 =	simm.s32 $0x4C00  }
0x35: {  	[tilespmem:s21], [sflag:$0x1] =	stream.indirect_vreg.gather [hbm4b:s11+s3], $0x80, v4, vm0, $0xb8;
	[tilespmem:$0x11400] =	vst v63  }
0x36: {  	_ = 	snop  }
0x37: {  	[tilespmem:s22], [sflag:$0x1] =	stream.indirect_vreg.gather [hbm4b:s2+s3], $0x80, v3, vm0, $0xb8;
	[tilespmem:$0x11400] =	vst v63  }
0x38: {  	_ = 	snop  }
0x39: {  	[tilespmem:s23], [sflag:$0x1] =	stream.indirect_vreg.gather [hbm4b:s5+s3], $0x80, v3, vm0, $0xb8;
	[tilespmem:$0x11400] =	vst v63  }
0x3a: {  	_ = 	snop  }
0x3b: {  	[tilespmem:s24], [sflag:$0x1] =	stream.indirect_vreg.gather [hbm4b:s6+s3], $0x80, v3, vm0, $0xb8;
	[tilespmem:$0x11400] =	vst v63  }
0x3c: {  	_ = 	snop  }
0x3d: {  	[tilespmem:s25], [sflag:$0x1] =	stream.indirect_vreg.gather [hbm4b:s7+s3], $0x80, v3, vm0, $0xb8;
	[tilespmem:$0x11400] =	vst v63  }
0x3e: {  	_ = 	snop  }
0x3f: {  	[tilespmem:s26], [sflag:$0x1] =	stream.indirect_vreg.gather [hbm4b:s8+s3], $0x80, v3, vm0, $0xb8;
	[tilespmem:$0x11400] =	vst v63  }
0x40: {  	_ = 	snop  }
0x41: {  	[tilespmem:s28], [sflag:$0x1] =	stream.indirect_vreg.gather [hbm4b:s9+s3], $0x80, v3, vm0, $0xb8;
	[tilespmem:$0x11400] =	vst v63  }
0x42: {  	_ = 	snop  }
0x43: {  	[tilespmem:s29], [sflag:$0x1] =	stream.indirect_vreg.gather [hbm4b:s10+s3], $0x80, v3, vm0, $0xb8;
	[tilespmem:$0x11400] =	vst v63  }
0x44: {  	s18 =	simm.s32 $0x100;
	s19 =	simm.s32 $0x0  }
0x45: {  	[tilespmem:s30], [sflag:$0x1] =	stream.indirect_vreg.gather [hbm4b:s11+s3], $0x80, v3, vm0, $0xb8;
	[tilespmem:$0x11400] =	vst v63  }
.LBB2_2:
0x46: {  	p0 =	seq.s32 s19, $0x0  }
0x47: {  	s20 =	simm.s32 @!p0 $0x4  }
0x48: {  	_ =	swait.ge @!p0 [sflag:s20], $0x8000  }
0x49: {  	[sflag:s20] =	ssyncset.done @!p0 $0x0  }
0x4a: {  	[sflag:s20] =	ssyncadd.s32 @!p0 $0xFFFF8000  }
0x4b: {  	v3 =	vld [tilespmem:s18+$0xFFFFFF80];
	_ =	sdelay $0x4  }
0x4c: {  	v4 =	vshll.u32 v3, $0x4  }
0x4d: {  	v3 =	vand.u32 $0x7, v3;
	v4 =	vand.u32 $0xFFFFFF80, v4  }
0x4e: {  	v3 =	vor.u32 v3, v4  }
0x4f: {  	v4 =	vperm.xlane v3, v0;
	_ =	sdelay $0x1  }
0x50: {  	v4 =	vadd.s32 v1, v4;
	_ =	sdelay $0x4  }
0x51: {  	[tilespmem:s31], [sflag:$0x2] =	stream.indirect_vreg.gather [hbm4b:s2+s3], $0x80, v4, vm0, $0xb8;
	[tilespmem:$0x11400] =	vst v63  }
0x52: {  	s20 =	rddreg [dreg:$0x5]  }
0x53: {  	[tilespmem:s20], [sflag:$0x2] =	stream.indirect_vreg.gather [hbm4b:s5+s3], $0x80, v4, vm0, $0xb8;
	[tilespmem:$0x11400] =	vst v63  }
0x54: {  	s21 =	rddreg [dreg:$0x6]  }
0x55: {  	[tilespmem:s21], [sflag:$0x2] =	stream.indirect_vreg.gather [hbm4b:s6+s3], $0x80, v4, vm0, $0xb8;
	[tilespmem:$0x11400] =	vst v63  }
0x56: {  	s20 =	rddreg [dreg:$0x7]  }
0x57: {  	[tilespmem:s20], [sflag:$0x2] =	stream.indirect_vreg.gather [hbm4b:s7+s3], $0x80, v4, vm0, $0xb8;
	[tilespmem:$0x11400] =	vst v63  }
0x58: {  	s21 =	rddreg [dreg:$0x8]  }
0x59: {  	[tilespmem:s21], [sflag:$0x2] =	stream.indirect_vreg.gather [hbm4b:s8+s3], $0x80, v4, vm0, $0xb8;
	[tilespmem:$0x11400] =	vst v63  }
0x5a: {  	v3 =	vperm.xlane v3, v2;
	s20 =	rddreg [dreg:$0x9]  }
0x5b: {  	[tilespmem:s20], [sflag:$0x2] =	stream.indirect_vreg.gather [hbm4b:s9+s3], $0x80, v4, vm0, $0xb8;
	[tilespmem:$0x11400] =	vst v63  }
0x5c: {  	v3 =	vadd.s32 v1, v3;
	s21 =	rddreg [dreg:$0xa]  }
0x5d: {  	[tilespmem:s21], [sflag:$0x2] =	stream.indirect_vreg.gather [hbm4b:s10+s3], $0x80, v4, vm0, $0xb8;
	[tilespmem:$0x11400] =	vst v63  }
0x5e: {  	s20 =	rddreg [dreg:$0xb]  }
0x5f: {  	[tilespmem:s20], [sflag:$0x2] =	stream.indirect_vreg.gather [hbm4b:s11+s3], $0x80, v4, vm0, $0xb8;
	[tilespmem:$0x11400] =	vst v63  }
0x60: {  	s21 =	rddreg [dreg:$0xc]  }
0x61: {  	[tilespmem:s21], [sflag:$0x2] =	stream.indirect_vreg.gather [hbm4b:s2+s3], $0x80, v3, vm0, $0xb8;
	[tilespmem:$0x11400] =	vst v63  }
0x62: {  	s20 =	rddreg [dreg:$0xd]  }
0x63: {  	[tilespmem:s20], [sflag:$0x2] =	stream.indirect_vreg.gather [hbm4b:s5+s3], $0x80, v3, vm0, $0xb8;
	[tilespmem:$0x11400] =	vst v63  }
0x64: {  	s21 =	rddreg [dreg:$0xe]  }
0x65: {  	[tilespmem:s21], [sflag:$0x2] =	stream.indirect_vreg.gather [hbm4b:s6+s3], $0x80, v3, vm0, $0xb8;
	[tilespmem:$0x11400] =	vst v63  }
0x66: {  	s20 =	rddreg [dreg:$0xf]  }
0x67: {  	[tilespmem:s20], [sflag:$0x2] =	stream.indirect_vreg.gather [hbm4b:s7+s3], $0x80, v3, vm0, $0xb8;
	[tilespmem:$0x11400] =	vst v63  }
0x68: {  	s21 =	rddreg [dreg:$0x10]  }
0x69: {  	[tilespmem:s21], [sflag:$0x2] =	stream.indirect_vreg.gather [hbm4b:s8+s3], $0x80, v3, vm0, $0xb8;
	[tilespmem:$0x11400] =	vst v63  }
0x6a: {  	s20 =	rddreg [dreg:$0x11]  }
0x6b: {  	[tilespmem:s20], [sflag:$0x2] =	stream.indirect_vreg.gather [hbm4b:s9+s3], $0x80, v3, vm0, $0xb8;
	[tilespmem:$0x11400] =	vst v63  }
0x6c: {  	s21 =	rddreg [dreg:$0x12]  }
0x6d: {  	[tilespmem:s21], [sflag:$0x2] =	stream.indirect_vreg.gather [hbm4b:s10+s3], $0x80, v3, vm0, $0xb8;
	[tilespmem:$0x11400] =	vst v63  }
0x6e: {  	s20 =	rddreg [dreg:$0x13]  }
0x6f: {  	[tilespmem:s20], [sflag:$0x2] =	stream.indirect_vreg.gather [hbm4b:s11+s3], $0x80, v3, vm0, $0xb8;
	[tilespmem:$0x11400] =	vst v63  }
0x70: {  	_ =	swait.ge [sflag:s1], $0x8000  }
0x71: {  	s21 =	rddreg [dreg:$0x3];
	[sflag:s1] =	ssyncset.done $0x0  }
0x72: {  	p0 =	seq.s32 s19, $0x22000;
	[sflag:s1] =	ssyncadd.s32 $0xFFFF8000;
	s20 =	sadd.s32 s19, s21  }
0x73: {  	[hbm4b:s20+s3] =	stream.linear.scatter [tilespmem:s14], [sflag:$0x3], $0x8000, $0x38;
	[tilespmem:$0x11400] =	vst v63  }
0x74: {  	s20 =	simm.s32 @!p0 $0x3  }
0x75: {  	_ =	swait.ge @!p0 [sflag:s20], $0x8000  }
0x76: {  	[sflag:s20] =	ssyncset.done @!p0 $0x0  }
0x77: {  	[sflag:s20] =	ssyncadd.s32 @!p0 $0xFFFF8000  }
0x78: {  	v3 =	vld @!p0 [tilespmem:s18+$0x0];
	_ =	sdelay $0x4  }
0x79: {  	v4 =	vshll.u32 @!p0 v3, $0x4  }
0x7a: {  	v5 =	vlaneseq.u32 @!p0;
	v3 =	vand.u32 @!p0 $0x7, v3;
	v4 =	vand.u32 @!p0 $0xFFFFFF80, v4  }
0x7b: {  	v6 =	vshrl.u32 @!p0 v5, $0x3;
	v3 =	vor.u32 @!p0 v3, v4;
	v4 =	vand.u32 @!p0 $0x7, v5  }
0x7c: {  	v6 =	vmul.u32 @!p0 $0x8, v6;
	v4 =	vperm.xlane @!p0 v3, v4;
	_ =	sdelay $0x1  }
0x7d: {  	v4 =	vadd.s32 @!p0 v6, v4;
	_ =	sdelay $0x3  }
0x7e: {  	vm1 =	vmmov @!p0 $0xffff;
	s21 =	simm.s32 @!p0 $0x1400;
	s20 =	simm.s32 @!p0 $0x0  }
0x7f: {  	[tilespmem:s21], [sflag:$0x1] =	stream.indirect_vreg.gather @!p0 [hbm4b:s2+s20], $0x80, v4, vm1, $0xb8;
	[tilespmem:$0x11400] =	vst v63  }
0x80: {  	s21 =	simm.s32 @!p0 $0x1C00  }
0x81: {  	[tilespmem:s21], [sflag:$0x1] =	stream.indirect_vreg.gather @!p0 [hbm4b:s5+s20], $0x80, v4, vm1, $0xb8;
	[tilespmem:$0x11400] =	vst v63  }
0x82: {  	s21 =	simm.s32 @!p0 $0x2400  }
0x83: {  	[tilespmem:s21], [sflag:$0x1] =	stream.indirect_vreg.gather @!p0 [hbm4b:s6+s20], $0x80, v4, vm1, $0xb8;
	[tilespmem:$0x11400] =	vst v63  }
0x84: {  	s21 =	simm.s32 @!p0 $0x2C00  }
0x85: {  	[tilespmem:s21], [sflag:$0x1] =	stream.indirect_vreg.gather @!p0 [hbm4b:s7+s20], $0x80, v4, vm1, $0xb8;
	[tilespmem:$0x11400] =	vst v63  }
0x86: {  	s21 =	simm.s32 @!p0 $0x3400  }
0x87: {  	v5 =	vor.u32 @!p0 $0x8, v5;
	[tilespmem:s21], [sflag:$0x1] =	stream.indirect_vreg.gather @!p0 [hbm4b:s8+s20], $0x80, v4, vm1, $0xb8;
	[tilespmem:$0x11400] =	vst v63  }
0x88: {  	v3 =	vperm.xlane @!p0 v3, v5;
	s21 =	simm.s32 @!p0 $0x3C00  }
0x89: {  	[tilespmem:s21], [sflag:$0x1] =	stream.indirect_vreg.gather @!p0 [hbm4b:s9+s20], $0x80, v4, vm1, $0xb8;
	[tilespmem:$0x11400] =	vst v63  }
0x8a: {  	v3 =	vadd.s32 @!p0 v6, v3;
	s21 =	simm.s32 @!p0 $0x4400  }
0x8b: {  	[tilespmem:s21], [sflag:$0x1] =	stream.indirect_vreg.gather @!p0 [hbm4b:s10+s20], $0x80, v4, vm1, $0xb8;
	[tilespmem:$0x11400] =	vst v63  }
0x8c: {  	s21 =	simm.s32 @!p0 $0x4C00  }
0x8d: {  	[tilespmem:s21], [sflag:$0x1] =	stream.indirect_vreg.gather @!p0 [hbm4b:s11+s20], $0x80, v4, vm1, $0xb8;
	[tilespmem:$0x11400] =	vst v63  }
0x8e: {  	s21 =	simm.s32 @!p0 $0x5400  }
0x8f: {  	[tilespmem:s21], [sflag:$0x1] =	stream.indirect_vreg.gather @!p0 [hbm4b:s2+s20], $0x80, v3, vm1, $0xb8;
	[tilespmem:$0x11400] =	vst v63  }
0x90: {  	s21 =	simm.s32 @!p0 $0x5C00  }
0x91: {  	[tilespmem:s21], [sflag:$0x1] =	stream.indirect_vreg.gather @!p0 [hbm4b:s5+s20], $0x80, v3, vm1, $0xb8;
	[tilespmem:$0x11400] =	vst v63  }
0x92: {  	s21 =	simm.s32 @!p0 $0x6400  }
0x93: {  	[tilespmem:s21], [sflag:$0x1] =	stream.indirect_vreg.gather @!p0 [hbm4b:s6+s20], $0x80, v3, vm1, $0xb8;
	[tilespmem:$0x11400] =	vst v63  }
0x94: {  	s21 =	simm.s32 @!p0 $0x6C00  }
0x95: {  	[tilespmem:s21], [sflag:$0x1] =	stream.indirect_vreg.gather @!p0 [hbm4b:s7+s20], $0x80, v3, vm1, $0xb8;
	[tilespmem:$0x11400] =	vst v63  }
0x96: {  	s21 =	simm.s32 @!p0 $0x7400  }
0x97: {  	[tilespmem:s21], [sflag:$0x1] =	stream.indirect_vreg.gather @!p0 [hbm4b:s8+s20], $0x80, v3, vm1, $0xb8;
	[tilespmem:$0x11400] =	vst v63  }
0x98: {  	s21 =	simm.s32 @!p0 $0x7C00  }
0x99: {  	[tilespmem:s21], [sflag:$0x1] =	stream.indirect_vreg.gather @!p0 [hbm4b:s9+s20], $0x80, v3, vm1, $0xb8;
	[tilespmem:$0x11400] =	vst v63  }
0x9a: {  	s21 =	simm.s32 @!p0 $0x8400  }
0x9b: {  	[tilespmem:s21], [sflag:$0x1] =	stream.indirect_vreg.gather @!p0 [hbm4b:s10+s20], $0x80, v3, vm1, $0xb8;
	[tilespmem:$0x11400] =	vst v63  }
0x9c: {  	s21 =	simm.s32 @!p0 $0x8C00  }
0x9d: {  	[tilespmem:s21], [sflag:$0x1] =	stream.indirect_vreg.gather @!p0 [hbm4b:s11+s20], $0x80, v3, vm1, $0xb8;
	[tilespmem:$0x11400] =	vst v63  }
0x9e: {  	_ =	swait.ge [sflag:s0], $0x8000  }
0x9f: {  	s21 =	rddreg [dreg:$0x4]  }
0xa0: {  	s20 =	sadd.s32 s19, s21;
	s19 =	sadd.s32 $0x2000, s19  }
0xa1: {  	p0 =	sne.s32 s19, $0x24000  }
.Ltmp0:
0xa2: {  	_ = 	snop;
	(pc) =	sbr.rel @p0 .LBB2_2-.Ltmp0, $4  }
0xa3: {  	_ = 	snop  }
0xa4: {  	[sflag:s0] =	ssyncset.done $0x0  }
0xa5: {  	s18 =	sadd.s32 $0x100, s18;
	[sflag:s0] =	ssyncadd.s32 $0xFFFF8000  }
0xa6: {  	[hbm4b:s20+s3] =	stream.linear.scatter [tilespmem:s31], [sflag:$0x4], $0x8000, $0x38;
	[tilespmem:$0x11400] =	vst v63  }
0xa7: {  	s17 =	sadd.s32 $0x1, s17  }
0xa8: {  	_ =	swait.ge [sflag:s15], $0x8000;
	p0 =	sne.s32 s17, s12  }
.Ltmp1:
0xa9: {  	[sflag:s15] =	ssyncset.done $0x0;
	(pc) =	sbr.rel @p0 .LBB2_1-.Ltmp1, $4  }
0xaa: {  	[sflag:s15] =	ssyncadd.s32 $0xFFFF8000  }
0xab: {  	_ =	swait.ge [sflag:s16], $0x8000  }
0xac: {  	[sflag:s16] =	ssyncset.done $0x0  }
0xad: {  	[sflag:s16] =	ssyncadd.s32 $0xFFFF8000  }
0xae: {  	_ =	sfence.sel $0x180000  }
0xaf: {  	[bflag:$0x0] =	sbarrier.arrive $0xFFFF  }
0xb0: {  	_ =	strace $0x90000047  }
0xb1: {  	s0 =	stileid.u32;
	[bflag:$0x2] =	sbarrier.arrive $0xFFFF  }
0xb2: {  	p0 =	sne.s32 s0, $0x0;
	s0 =	rddreg [dreg:$0x2]  }
0xb3: {  	s0 =	sadd.s32 @!p0 $0x100000, s0  }
0xb4: {  	[sflag:s0] =	ssyncadd.tile.s32 @!p0 $0x1;
	_ =	shalt  }
.Lfunc_end2:
_tile_overlayer_lowered:
.L_overlay_start_2:
0xb5: {  	(tag) =	ssettag $0x2  }
0xb6: {  	s0 =	rddreg [dreg:$0x0];
	s2 =	stileid.u32  }
0xb7: {  	s1 =	rddreg [dreg:$0x1];
	p0 =	sne.s32 s2, $0x0  }
0xb8: {  	s3 =	rddreg [dreg:$0x2];
	[bflag:$0x3] =	sbarrier.arrive $0xFFFF;
	s2 =	simm.s32 @!p0 $0x1C05  }
0xb9: {  	[timem:s3], [sflag:s2] =	dma.local @!p0 [hbm:s0], s1  }
0xba: {  	s0 =	simm.s32 @!p0 $0x5  }
0xbb: {  	_ =	swait.ge @!p0 [sflag:s0], s1  }
0xbc: {  	s1 =	ssub.s32 @!p0 $0x0, s1;
	[sflag:s0] =	ssyncset.done @!p0 $0x0  }
0xbd: {  	[sflag:s0] =	ssyncadd.s32 @!p0 s1  }
0xbe: {  	[bflag:$0x3] =	sbarrier.arrive $0xFFFF  }
0xbf: {  	_ =	shalt  }

// kernel: kernel.8.cloned.1.call-start
scs
__scs_entry_jumppad:
0x0: {  	(pc) =	sbr.rel $0x88, $3  }
0x1: {  	(tag) =	ssettag $0x0;
	lr =	simm.s32 $0x1  }
0x2: {  	[smem:$0x3F9B] =	sst lr;
	_ =	strace $0xD0000000  }
0x3: {  	_ = 	snop  }
0x4: {  	_ = 	snop  }
0x5: {  	_ = 	snop  }
0x6: {  	_ = 	snop  }
0x7: {  	_ = 	snop  }
__scs_overlays_trampoline_lowered:
0x8: {  	[smem:$0x3FAA] =	sst s0  }
0x9: {  	[smem:$0x3FAB] =	sst s1  }
0xa: {  	[smem:$0x3FAC] =	sst s2  }
0xb: {  	[smem:$0x3FAD] =	sst s3  }
0xc: {  	[smem:$0x3FAE] =	sst s4  }
0xd: {  	[smem:$0x3FAF] =	sst s5  }
0xe: {  	[smem:$0x3FB0] =	sst s6  }
0xf: {  	[smem:$0x3FB1] =	sst s7  }
0x10: {  	[smem:$0x3FB2] =	sst s8  }
0x11: {  	[smem:$0x3FB3] =	sst s9;
	s0 =	simm.s32 @!p0 $0x0  }
0x12: {  	s1 =	sld [smem:$0x3F99];
	s0 =	simm.s32 @p0 $0x1  }
0x13: {  	[smem:$0x3FB4] =	sst s0;
	s0 =	simm.s32 @!p1 $0x0  }
0x14: {  	s2 =	sld [smem:$0x3F98];
	s0 =	simm.s32 @p1 $0x1  }
0x15: {  	[smem:$0x3FB5] =	sst s0;
	s0 =	simm.s32 @!p2 $0x0  }
0x16: {  	s3 =	sld [smem:$0x3FDB];
	s0 =	simm.s32 @p2 $0x1  }
0x17: {  	s4 =	simm.s32 $0x1BF5;
	[smem:$0x3FB7] =	sst s0  }
0x18: {  	s0 =	sld [smem:$0x3F9A];
	_ =	swait.ge [sflag:s4], $0x0  }
0x19: {  	s7 =	sld [smem:$0x3F9B]  }
0x1a: {  	s8 =	sadd.s32 $0xFFFFE003, lr  }
0x1b: {  	s9 =	sadd.s32 $0xFFFFFEF7, lr;
	s5 =	simm.s32 $0xFFFFFFFF;
	p2 =	slt.u32 s8, $0xFFFFF086  }
0x1c: {  	p1 =	slt.u32 s9, $0xF7A;
	s5 =	simm.s32 @!p2 $0x0  }
0x1d: {  	s5 =	simm.s32 @p1 $0x1;
	p0 =	seq.s32 s7, s2  }
0x1e: {  	s7 =	smul.u32 @!p0 $0xF7A, s2;
	p2 =	seq.s32 @!p0 s5, $0x0  }
0x1f: {  	s9 =	smul.u32 $0xF7A, s1;
	s8 =	simm.s32 @!p0 $0x1BF5;
	p2 =	por !p2, p0  }
0x20: {  	[sflag:s8] =	ssyncset.s32 @!p0 $0xFFFFF086;
	s6 =	sadd.s32 @!p0 s3, s7;
	s7 =	simm.s32 @!p0 $0x108  }
0x21: {  	s3 =	sadd.s32 s3, s9;
	s6 =	sadd.s32 @!p0 $0x88, s6;
	s7 =	simm.s32 @p2 $0x1082  }
0x22: {  	[simem:s7], [sflag:s8] =	dma.local @!p0 [hbm:s6], $0xF7A  }
0x23: {  	s9 =	sor.u32 $0xD0000000, s2;
	s6 =	simm.s32 $0x108;
	_ =	swait.ge @!p0 [sflag:s8], $0x0  }
0x24: {  	s3 =	sadd.s32 $0x88, s3;
	s6 =	simm.s32 @!p1 $0x1082;
	[sflag:s4] =	ssyncset.s32 $0xFFFFF086  }
0x25: {  	[simem:s6], [sflag:s4] =	dma.local [hbm:s3], $0xF7A  }
0x26: {  	[smem:$0x3F9B] =	sst s1;
	(tag) =	ssettag s2;
	_ =	strace s9  }
0x27: {  	s1 =	sld [smem:$0x3FAB]  }
0x28: {  	s2 =	sld [smem:$0x3FAC]  }
0x29: {  	s4 =	sld [smem:$0x3FAE]  }
0x2a: {  	p0 =	seq.s32 s5, $0x0;
	s5 =	sld [smem:$0x3FAF]  }
0x2b: {  	s6 =	sld [smem:$0x3FB0]  }
0x2c: {  	s7 =	sld [smem:$0x3FB1]  }
0x2d: {  	s3 =	simm.s32 $0x108;
	s8 =	sld [smem:$0x3FB2]  }
0x2e: {  	s3 =	simm.s32 @!p0 $0x1082;
	s9 =	sld [smem:$0x3FB3]  }
0x2f: {  	lr =	sadd.s32 s0, s3;
	s0 =	sld [smem:$0x3FAA]  }
0x30: {  	s3 =	sld [smem:$0x3FAD]  }
0x31: {  	[smem:$0x3FB6] =	sst s10  }
0x32: {  	s10 =	sld [smem:$0x3FB4];
	_ =	sdelay $0x3  }
0x33: {  	p0 =	seq.s32 s10, $0x1;
	s10 =	sld [smem:$0x3FB6];
	_ =	sdelay $0x3  }
0x34: {  	[smem:$0x3FB6] =	sst s10  }
0x35: {  	s10 =	sld [smem:$0x3FB5];
	_ =	sdelay $0x3  }
0x36: {  	p1 =	seq.s32 s10, $0x1;
	s10 =	sld [smem:$0x3FB6];
	_ =	sdelay $0x3  }
0x37: {  	[smem:$0x3FB6] =	sst s10  }
0x38: {  	s10 =	sld [smem:$0x3FB7]  }
0x39: {  	_ = 	snop;
	(pc) =	sbr.ind lr, $3  }
0x3a: {  	_ = 	snop  }
0x3b: {  	_ = 	snop  }
0x3c: {  	p2 =	seq.s32 s10, $0x1;
	s10 =	sld [smem:$0x3FB6]  }
0x3d: {  	_ =	shalt  }
0x3e: {  	_ =	shalt  }
0x3f: {  	_ =	shalt  }
0x40: {  	_ =	shalt  }
0x41: {  	_ =	shalt  }
0x42: {  	_ =	shalt  }
0x43: {  	_ =	shalt  }
0x44: {  	_ =	shalt  }
0x45: {  	_ =	shalt  }
0x46: {  	_ =	shalt  }
0x47: {  	_ =	shalt  }
0x48: {  	_ =	shalt  }
0x49: {  	_ =	shalt  }
0x4a: {  	_ =	shalt  }
0x4b: {  	_ =	shalt  }
0x4c: {  	_ =	shalt  }
0x4d: {  	_ =	shalt  }
0x4e: {  	_ =	shalt  }
0x4f: {  	_ =	shalt  }
0x50: {  	_ =	shalt  }
0x51: {  	_ =	shalt  }
0x52: {  	_ =	shalt  }
0x53: {  	_ =	shalt  }
0x54: {  	_ =	shalt  }
0x55: {  	_ =	shalt  }
0x56: {  	_ =	shalt  }
0x57: {  	_ =	shalt  }
0x58: {  	_ =	shalt  }
0x59: {  	_ =	shalt  }
0x5a: {  	_ =	shalt  }
0x5b: {  	_ =	shalt  }
0x5c: {  	_ =	shalt  }
0x5d: {  	_ =	shalt  }
0x5e: {  	_ =	shalt  }
0x5f: {  	_ =	shalt  }
0x60: {  	_ =	shalt  }
0x61: {  	_ =	shalt  }
0x62: {  	_ =	shalt  }
0x63: {  	_ =	shalt  }
0x64: {  	_ =	shalt  }
0x65: {  	_ =	shalt  }
0x66: {  	_ =	shalt  }
0x67: {  	_ =	shalt  }
0x68: {  	_ =	shalt  }
0x69: {  	_ =	shalt  }
0x6a: {  	_ =	shalt  }
0x6b: {  	_ =	shalt  }
0x6c: {  	_ =	shalt  }
0x6d: {  	_ =	shalt  }
0x6e: {  	_ =	shalt  }
0x6f: {  	_ =	shalt  }
0x70: {  	_ =	shalt  }
0x71: {  	_ =	shalt  }
0x72: {  	_ =	shalt  }
0x73: {  	_ =	shalt  }
0x74: {  	_ =	shalt  }
0x75: {  	_ =	shalt  }
0x76: {  	_ =	shalt  }
0x77: {  	_ =	shalt  }
0x78: {  	_ =	shalt  }
0x79: {  	_ =	shalt  }
0x7a: {  	_ =	shalt  }
0x7b: {  	_ =	shalt  }
0x7c: {  	_ =	shalt  }
0x7d: {  	_ =	shalt  }
0x7e: {  	_ =	shalt  }
0x7f: {  	_ =	shalt  }
0x80: {  	_ =	shalt  }
0x81: {  	_ =	shalt  }
0x82: {  	_ =	shalt  }
0x83: {  	_ =	shalt  }
0x84: {  	_ =	shalt  }
0x85: {  	_ =	shalt  }
0x86: {  	_ =	shalt  }
0x87: {  	_ =	shalt  }
.Lfunc_end0:
.L_simem_size_0:
called_computation.1_lowered:
.L_overlay_start_0:
0x88: {  	s2 =	sld [smem:$0x3FD9]  }
0x89: {  	s3 =	sld [smem:$0x3FFE];
	_ =	sdelay $0x1  }
0x8a: {  	s1 =	srdreg.scid  }
0x8b: {  	s0 =	sand.u32 $0x1, s1  }
0x8c: {  	s17 =	sshll.u32 s0, $0xA;
	s2 =	sadd.s32 s3, s2  }
0x8d: {  	s2 =	sadd.s32 s2, s17  }
0x8e: {  	[smem:$0x3FC2] =	sst s2  }
0x8f: {  	_ = 	snop  }
0x90: {  	s2 =	sld [smem:$0x3FD0];
	(tm) =	ssettm $0x1  }
0x91: {  	s18 =	sld [smem:$0x3FFB];
	_ =	sdelay $0x3  }
0x92: {  	_ =	strace s18  }
0x93: {  	s3 =	sld [smem:$0x3FFC];
	_ =	sdelay $0x3  }
0x94: {  	_ =	strace s3  }
0x95: {  	s3 =	sld [smem:$0x3FFD];
	_ =	sdelay $0x3  }
0x96: {  	_ =	strace s3  }
0x97: {  	_ =	strace $0x8FFFFFFF  }
0x98: {  	s19 =	sld [smem:$0x3FDB];
	_ =	sdelay $0x1  }
0x99: {  	s4 =	simm.s32 $_scs_section_size  }
0x9a: {  	s5 =	simm.s32 $_size__tile_overlayer_lowered;
	s6 =	simm.s32 $_tile_overlayer_lowered  }
0x9b: {  	s22 =	simm.s32 $0x1BFF;
	s21 =	sshll.u32 s6, $0x1;
	s3 =	sadd.s32 s4, s19  }
0x9c: {  	s7 =	simm.s32 $0x0;
	s20 =	sshll.u32 s5, $0x1;
	s5 =	sadd.s32 s21, s3  }
0x9d: {  	[timem:s7], [sflag:s22] =	dma.local [hbm:s5], s20  }
0x9e: {  	_ =	swait.ge [sflag:s22], s20  }
0x9f: {  	s4 =	ssub.s32 $0x0, s20;
	[sflag:s22] =	ssyncset.done $0x0  }
0xa0: {  	[sflag:s22] =	ssyncadd.s32 s4;
	_ =	sdelay $0x1  }
0xa1: {  	s23 =	simm.s32 $0x1B8B  }
0xa2: {  	_ =	swait.ge [sflag:s23], $0x1  }
0xa3: {  	[sflag:s23] =	ssyncset.done $0x0  }
0xa4: {  	s25 =	simm.s32 $0x1B8E;
	s24 =	sld [smem:$0x3FFE];
	[sflag:s23] =	ssyncadd.s32 $0xFFFFFFFF  }
0xa5: {  	s26 =	simm.s32 $execute0_lowered;
	[smem:$0x3FD2] =	sst s25  }
0xa6: {  	s5 =	sshll.u32 s26, $0x1;
	_ =	strace $0x80000049;
	[dreg:$0x1] =	wrdreg $0xFFFFFFFF  }
0xa7: {  	s28 =	simm.s32 $_size_execute0_lowered;
	s3 =	sadd.s32 s3, s5;
	[dreg:$0x0] =	wrdreg $0x0  }
0xa8: {  	s5 =	sshll.u32 s28, $0x1;
	[dreg:$0x2] =	wrdreg s3  }
0xa9: {  	[dreg:$0x3] =	wrdreg s5  }
0xaa: {  	[dreg:$0x4] =	wrdreg $0xC0  }
0xab: {  	_ =	task [dreg:s7], $0x5FFFF  }
0xac: {  	[dreg:$0x1] =	wrdreg $0xFFFFFFFF  }
0xad: {  	[dreg:$0x0] =	wrdreg $0x60  }
0xae: {  	[dreg:$0x2] =	wrdreg s24  }
0xaf: {  	[dreg:$0x3] =	wrdreg s2  }
0xb0: {  	[dreg:$0x4] =	wrdreg $0x9  }
0xb1: {  	_ =	task.clear_ibuf [dreg:s7], $0x5FFFF;
	_ =	strace $0x90000049  }
0xb2: {  	s29 =	simm.s32 $0x9;
	_ =	strace $0x8000004B  }
0xb3: {  	_ =	swait.ge [sflag:s29], $0x1  }
0xb4: {  	[sflag:s29] =	ssyncadd.s32 $0xFFFFFFFF  }
0xb5: {  	_ =	strace $0x9000004B  }
0xb6: {  	_ =	sfence  }
0xb7: {  	s30 =	sld [smem:$0x0];
	_ =	sdelay $0x2  }
0xb8: {  	s31 =	sshll.u32 s1, $0xD;
	s1 =	sshrl.u32 s1, $0x2  }
0xb9: {  	s3 =	sand.u32 $0x4000, s31;
	s1 =	sadd.s32 s1, s30  }
0xba: {  	s0 =	sor.u32 s3, s0;
	s1 =	sshll.u32 s1, $0x11  }
0xbb: {  	s0 =	sor.u32 s1, s0  }
0xbc: {  	s0 =	sadd.s32 $0x8F2B, s0  }
0xbd: {  	[sflag:s0] =	ssyncadd.remote.s32 $0x1  }
0xbe: {  	_ =	sfence.sel $0xFFFF  }
0xbf: {  	[dreg:$0x0] =	wrdreg $0xFFFFFFFF;
	(pc) =	sbr.abs _section_cstart, $3  }
0xc0: {  	[dreg:$0x1] =	wrdreg $0xFFFFFFFF  }
0xc1: {  	_ =	task.clear_ibuf [dreg:s7], $0x2FFFF;
	_ =	strace $0x9FFFFFFF  }
0xc2: {  	(tm) =	ssettm $0x7FFFFFFF  }
0xc3: {  	_ =	shalt  }
tec
execute0_lowered:
.L_overlay_start_1:
0x0: {  	(tag) =	ssettag $0x1  }
0x1: {  	s0 =	rddreg [dreg:$0x0];
	s1 =	srdreg.scid  }
0x2: {  	s2 =	stileid.u32;
	s4 =	rddreg [dreg:$0x1];
	s20 =	simm.s32 $0xE000  }
0x3: {  	s21 =	simm.s32 $0xE800;
	s22 =	simm.s32 $0xF000;
	s23 =	simm.s32 $0xF800  }
0x4: {  	s24 =	simm.s32 $0x10000;
	s28 =	simm.s32 $0x11000;
	s29 =	simm.s32 $0x2  }
0x5: {  	s30 =	simm.s32 $0x4;
	s31 =	simm.s32 $0x15000;
	s1 =	sand.u32 $0x1, s1  }
0x6: {  	s3 =	sshll.u32 s2, $0x1;
	s6 =	sadd.s32 $0x48A400, s0;
	s7 =	sadd.s32 $0x48A500, s0  }
0x7: {  	s2 =	simm.s32 $0x0;
	s9 =	sadd.s32 $0x48A700, s0;
	s10 =	sadd.s32 $0x48A800, s0  }
0x8: {  	s11 =	sadd.s32 $0x48A900, s0;
	s12 =	sor.u32 s1, s3;
	[smem:$0x7FF] =	sst s2  }
0x9: {  	s3 =	sadd.s32 $0x48A200, s0;
	s1 =	ssub.s32 $0x2, s1;
	s5 =	sshll.u32 s12, $0x9  }
0xa: {  	_ =	strace $0x8000004A;
	s8 =	sshrl.u32 s1, $0x1;
	s25 =	sshll.u32 s12, $0x10  }
0xb: {  	s5 =	sadd.s32 s5, s0;
	s1 =	ssub.s32 s1, s8;
	s8 =	sadd.s32 $0x48A600, s0  }
0xc: {  	v2 =	vlaneseq.u32;
	s12 =	sadd.s32 s4, s25;
	s25 =	simm.s32 $0x10800;
	s5 =	sadd.s32 $0x486200, s5  }
0xd: {  	vm0 =	vmmov $0xffff;
	v1 =	vshrl.u32 v2, $0x3;
	s26 =	smax.u32 s1, $0x1;
	s1 =	simm.s32 $0x0;
	[dreg:$0x3] =	wrdreg s5  }
0xe: {  	v0 =	vand.u32 $0x7, v2;
	v2 =	vor.u32 $0x8, v2;
	v1 =	vmul.u32 $0x8, v1;
	s5 =	sadd.s32 $0x48A300, s0;
	[dreg:$0x4] =	wrdreg s26;
	s26 =	simm.s32 $0x1  }
.LBB2_1:
0xf: {  	[dreg:$0x5] =	wrdreg s1  }
0x10: {  	s0 =	rddreg [dreg:$0x3];
	s4 =	simm.s32 $0x5  }
0x11: {  	[tilespmem:s2], [sflag:$0x5] =	stream.linear.gather [hbm4b:s0+s2], $0x1000, $0x38;
	[tilespmem:$0x19000] =	vst v63  }
0x12: {  	_ =	swait.ge [sflag:s4], $0x1000  }
0x13: {  	[sflag:s4] =	ssyncset.done $0x0  }
0x14: {  	[sflag:s4] =	ssyncadd.s32 $0xFFFFF000  }
0x15: {  	v3 =	vld [tilespmem:$0x0];
	_ =	sdelay $0x4  }
0x16: {  	v4 =	vshll.u32 v3, $0x4  }
0x17: {  	v3 =	vand.u32 $0x7, v3;
	v4 =	vand.u32 $0xFFFFFF80, v4  }
0x18: {  	v3 =	vor.u32 v3, v4  }
0x19: {  	v4 =	vperm.xlane v3, v0;
	_ =	sdelay $0x1  }
0x1a: {  	v4 =	vadd.s32 v1, v4;
	_ =	sdelay $0x3  }
0x1b: {  	s13 =	simm.s32 $0x1000  }
0x1c: {  	[tilespmem:s13], [sflag:$0x1] =	stream.indirect_vreg.gather [hbm4b:s3+s2], $0x80, v4, vm0, $0xb8;
	[tilespmem:$0x19000] =	vst v63  }
0x1d: {  	s14 =	simm.s32 $0x1800  }
0x1e: {  	[tilespmem:s14], [sflag:$0x1] =	stream.indirect_vreg.gather [hbm4b:s5+s2], $0x80, v4, vm0, $0xb8;
	[tilespmem:$0x19000] =	vst v63  }
0x1f: {  	s15 =	simm.s32 $0x2000  }
0x20: {  	[tilespmem:s15], [sflag:$0x1] =	stream.indirect_vreg.gather [hbm4b:s6+s2], $0x80, v4, vm0, $0xb8;
	[tilespmem:$0x19000] =	vst v63  }
0x21: {  	s16 =	simm.s32 $0x2800  }
0x22: {  	[tilespmem:s16], [sflag:$0x1] =	stream.indirect_vreg.gather [hbm4b:s7+s2], $0x80, v4, vm0, $0xb8;
	[tilespmem:$0x19000] =	vst v63  }
0x23: {  	s17 =	simm.s32 $0x3000  }
0x24: {  	[tilespmem:s17], [sflag:$0x1] =	stream.indirect_vreg.gather [hbm4b:s8+s2], $0x80, v4, vm0, $0xb8;
	[tilespmem:$0x19000] =	vst v63  }
0x25: {  	s18 =	simm.s32 $0x3800;
	v3 =	vperm.xlane v3, v2  }
0x26: {  	[tilespmem:s18], [sflag:$0x1] =	stream.indirect_vreg.gather [hbm4b:s9+s2], $0x80, v4, vm0, $0xb8;
	[tilespmem:$0x19000] =	vst v63  }
0x27: {  	s19 =	simm.s32 $0x4000;
	v3 =	vadd.s32 v1, v3  }
0x28: {  	[tilespmem:s19], [sflag:$0x1] =	stream.indirect_vreg.gather [hbm4b:s10+s2], $0x80, v4, vm0, $0xb8;
	[tilespmem:$0x19000] =	vst v63  }
0x29: {  	s1 =	simm.s32 $0x4800  }
0x2a: {  	[tilespmem:s1], [sflag:$0x1] =	stream.indirect_vreg.gather [hbm4b:s11+s2], $0x80, v4, vm0, $0xb8;
	[tilespmem:$0x19000] =	vst v63  }
0x2b: {  	s4 =	simm.s32 $0x5000  }
0x2c: {  	[tilespmem:s4], [sflag:$0x1] =	stream.indirect_vreg.gather [hbm4b:s3+s2], $0x80, v3, vm0, $0xb8;
	[tilespmem:$0x19000] =	vst v63  }
0x2d: {  	s13 =	simm.s32 $0x5800  }
0x2e: {  	[tilespmem:s13], [sflag:$0x1] =	stream.indirect_vreg.gather [hbm4b:s5+s2], $0x80, v3, vm0, $0xb8;
	[tilespmem:$0x19000] =	vst v63  }
0x2f: {  	s14 =	simm.s32 $0x6000  }
0x30: {  	[tilespmem:s14], [sflag:$0x1] =	stream.indirect_vreg.gather [hbm4b:s6+s2], $0x80, v3, vm0, $0xb8;
	[tilespmem:$0x19000] =	vst v63  }
0x31: {  	s15 =	simm.s32 $0x6800  }
0x32: {  	[tilespmem:s15], [sflag:$0x1] =	stream.indirect_vreg.gather [hbm4b:s7+s2], $0x80, v3, vm0, $0xb8;
	[tilespmem:$0x19000] =	vst v63  }
0x33: {  	s16 =	simm.s32 $0x7000  }
0x34: {  	[tilespmem:s16], [sflag:$0x1] =	stream.indirect_vreg.gather [hbm4b:s8+s2], $0x80, v3, vm0, $0xb8;
	[tilespmem:$0x19000] =	vst v63  }
0x35: {  	s17 =	simm.s32 $0x7800  }
0x36: {  	[tilespmem:s17], [sflag:$0x1] =	stream.indirect_vreg.gather [hbm4b:s9+s2], $0x80, v3, vm0, $0xb8;
	[tilespmem:$0x19000] =	vst v63  }
0x37: {  	s18 =	simm.s32 $0x8000  }
0x38: {  	[tilespmem:s18], [sflag:$0x1] =	stream.indirect_vreg.gather [hbm4b:s10+s2], $0x80, v3, vm0, $0xb8;
	[tilespmem:$0x19000] =	vst v63  }
0x39: {  	s19 =	simm.s32 $0x8800;
	s1 =	simm.s32 $0x0  }
0x3a: {  	[tilespmem:s19], [sflag:$0x1] =	stream.indirect_vreg.gather [hbm4b:s11+s2], $0x80, v3, vm0, $0xb8;
	[tilespmem:$0x19000] =	vst v63  }
.LBB2_2:
0x3b: {  	s0 =	sshllo.u32 s1, $0x1  }
0x3c: {  	s4 =	sshll.u32 s0, $0x7  }
0x3d: {  	s4 =	sand.u32 $0x3FFFFF80, s4  }
0x3e: {  	v3 =	vld [tilespmem:s4+$0x0];
	_ =	sdelay $0x4  }
0x3f: {  	v4 =	vshll.u32 v3, $0x4  }
0x40: {  	v3 =	vand.u32 $0x7, v3;
	v4 =	vand.u32 $0xFFFFFF80, v4  }
0x41: {  	v3 =	vor.u32 v3, v4  }
0x42: {  	v4 =	vperm.xlane v3, v0;
	_ =	sdelay $0x1  }
0x43: {  	v4 =	vadd.s32 v1, v4;
	_ =	sdelay $0x3  }
0x44: {  	s16 =	simm.s32 $0x9000  }
0x45: {  	[tilespmem:s16], [sflag:$0x2] =	stream.indirect_vreg.gather [hbm4b:s3+s2], $0x80, v4, vm0, $0xb8;
	[tilespmem:$0x19000] =	vst v63  }
0x46: {  	s17 =	simm.s32 $0x9800  }
0x47: {  	[tilespmem:s17], [sflag:$0x2] =	stream.indirect_vreg.gather [hbm4b:s5+s2], $0x80, v4, vm0, $0xb8;
	[tilespmem:$0x19000] =	vst v63  }
0x48: {  	s18 =	simm.s32 $0xA000  }
0x49: {  	[tilespmem:s18], [sflag:$0x2] =	stream.indirect_vreg.gather [hbm4b:s6+s2], $0x80, v4, vm0, $0xb8;
	[tilespmem:$0x19000] =	vst v63  }
0x4a: {  	s19 =	simm.s32 $0xA800  }
0x4b: {  	[tilespmem:s19], [sflag:$0x2] =	stream.indirect_vreg.gather [hbm4b:s7+s2], $0x80, v4, vm0, $0xb8;
	[tilespmem:$0x19000] =	vst v63  }
0x4c: {  	s13 =	simm.s32 $0xB000  }
0x4d: {  	[tilespmem:s13], [sflag:$0x2] =	stream.indirect_vreg.gather [hbm4b:s8+s2], $0x80, v4, vm0, $0xb8;
	[tilespmem:$0x19000] =	vst v63  }
0x4e: {  	s14 =	simm.s32 $0xB800;
	v3 =	vperm.xlane v3, v2  }
0x4f: {  	[tilespmem:s14], [sflag:$0x2] =	stream.indirect_vreg.gather [hbm4b:s9+s2], $0x80, v4, vm0, $0xb8;
	[tilespmem:$0x19000] =	vst v63  }
0x50: {  	s15 =	simm.s32 $0xC000;
	v3 =	vadd.s32 v1, v3  }
0x51: {  	[tilespmem:s15], [sflag:$0x2] =	stream.indirect_vreg.gather [hbm4b:s10+s2], $0x80, v4, vm0, $0xb8;
	[tilespmem:$0x19000] =	vst v63  }
0x52: {  	s16 =	simm.s32 $0xC800  }
0x53: {  	[tilespmem:s16], [sflag:$0x2] =	stream.indirect_vreg.gather [hbm4b:s11+s2], $0x80, v4, vm0, $0xb8;
	[tilespmem:$0x19000] =	vst v63  }
0x54: {  	s17 =	simm.s32 $0xD000  }
0x55: {  	[tilespmem:s17], [sflag:$0x2] =	stream.indirect_vreg.gather [hbm4b:s3+s2], $0x80, v3, vm0, $0xb8;
	[tilespmem:$0x19000] =	vst v63  }
0x56: {  	s18 =	simm.s32 $0xD800  }
0x57: {  	[tilespmem:s18], [sflag:$0x2] =	stream.indirect_vreg.gather [hbm4b:s5+s2], $0x80, v3, vm0, $0xb8;
	[tilespmem:$0x19000] =	vst v63  }
0x58: {  	_ = 	snop  }
0x59: {  	[tilespmem:s20], [sflag:$0x2] =	stream.indirect_vreg.gather [hbm4b:s6+s2], $0x80, v3, vm0, $0xb8;
	[tilespmem:$0x19000] =	vst v63  }
0x5a: {  	_ = 	snop  }
0x5b: {  	[tilespmem:s21], [sflag:$0x2] =	stream.indirect_vreg.gather [hbm4b:s7+s2], $0x80, v3, vm0, $0xb8;
	[tilespmem:$0x19000] =	vst v63  }
0x5c: {  	_ = 	snop  }
0x5d: {  	[tilespmem:s22], [sflag:$0x2] =	stream.indirect_vreg.gather [hbm4b:s8+s2], $0x80, v3, vm0, $0xb8;
	[tilespmem:$0x19000] =	vst v63  }
0x5e: {  	_ = 	snop  }
0x5f: {  	[tilespmem:s23], [sflag:$0x2] =	stream.indirect_vreg.gather [hbm4b:s9+s2], $0x80, v3, vm0, $0xb8;
	[tilespmem:$0x19000] =	vst v63  }
0x60: {  	_ = 	snop  }
0x61: {  	[tilespmem:s24], [sflag:$0x2] =	stream.indirect_vreg.gather [hbm4b:s10+s2], $0x80, v3, vm0, $0xb8;
	[tilespmem:$0x19000] =	vst v63  }
0x62: {  	_ = 	snop  }
0x63: {  	[tilespmem:s25], [sflag:$0x2] =	stream.indirect_vreg.gather [hbm4b:s11+s2], $0x80, v3, vm0, $0xb8;
	[tilespmem:$0x19000] =	vst v63  }
0x64: {  	_ =	swait.ge [sflag:s26], $0x8000  }
0x65: {  	p0 =	seq.s32 s1, $0x0;
	[sflag:s26] =	ssyncset.done $0x0  }
0x66: {  	s4 =	simm.s32 @!p0 $0x3;
	[sflag:s26] =	ssyncadd.s32 $0xFFFF8000  }
0x67: {  	s14 =	simm.s32 $0x0;
	_ =	swait.ge @!p0 [sflag:s4], $0x4000  }
0x68: {  	s13 =	sand.u32 $0x70, s14;
	s15 =	sand.u32 $0x3C00, s14;
	[sflag:s4] =	ssyncset.done @!p0 $0x0  }
0x69: {  	[sflag:s4] =	ssyncadd.s32 @!p0 $0xFFFFC000;
	s4 =	sor.u32 s13, s15  }
0x6a: {  	v3 =	vld [tilespmem:s4+$0x5100]  }
0x6b: {  	v4 =	vld [tilespmem:s4+$0x5180]  }
0x6c: {  	s19 =	sand.u32 $0x7, s14;
	v6 =	vld [tilespmem:s4+$0x1080]  }
0x6d: {  	s13 =	sshll.u32 s19, $0x4;
	v5 =	vld [tilespmem:s4+$0x1100]  }
0x6e: {  	s16 =	simm.s32 $0x0;
	s15 =	simm.s32 $0x10;
	s13 =	sadd.s32 $0x0, s13;
	v7 =	vld [tilespmem:s4+$0x1280]  }
.LBB2_3:
0x6f: {  	p1 =	sne.s32 s15, $0x7F0;
	v8 =	vld [tilespmem:s4+$0x1200];
	s14 =	sadd.s32 $0x80, s14;
	s16 =	sadd.s32 $0x1, s16  }
0x70: {  	s18 =	smov.u32 s15;
	s15 =	sadd.s32 $0x10, s15;
	s17 =	sand.u32 $0x7, s16;
	v9 =	vld [tilespmem:s4+$0x1000]  }
0x71: {  	s17 =	sshll.u32 s17, $0x4;
	v10 =	vld [tilespmem:s4+$0x1180]  }
0x72: {  	s17 =	sadd.s32 s17, s14;
	v11 =	vld [tilespmem:s4+$0x5080]  }
0x73: {  	v3 =	vadd.f32 v4, v3;
	v12 =	vld [tilespmem:s4+$0x5000]  }
0x74: {  	v4 =	vadd.f32 v7, v8;
	v7 =	vld [tilespmem:s4+$0x5280]  }
0x75: {  	s18 =	sand.u32 $0x70, s18;
	s19 =	sand.u32 $0x3C00, s14;
	v6 =	vadd.f32 v6, v9;
	v8 =	vld [tilespmem:s4+$0x5200]  }
0x76: {  	s18 =	sor.u32 s18, s19;
	v5 =	vadd.f32 v10, v5;
	[tilespmem:s4+$0x11100] =	vst v4  }
0x77: {  	[tilespmem:s4+$0x11000] =	vst v6;
	v4 =	vld [tilespmem:s4+$0x5380]  }
0x78: {  	s19 =	sor.u32 $0x380, s13;
	s13 =	smov.u32 s17;
	[tilespmem:s4+$0x11080] =	vst v5;
	v5 =	vld [tilespmem:s4+$0x1300];
	v6 =	vadd.f32 v11, v12  }
0x79: {  	v9 =	vld [tilespmem:s19+$0x1000]  }
0x7a: {  	[tilespmem:s4+$0x11200] =	vst v6;
	v6 =	vadd.f32 v7, v8;
	v7 =	vld [tilespmem:s4+$0x5300]  }
0x7b: {  	[tilespmem:s4+$0x11280] =	vst v3  }
0x7c: {  	[tilespmem:s4+$0x11300] =	vst v6;
	_ =	sdelay $0x1  }
0x7d: {  	v3 =	vadd.f32 v9, v5  }
0x7e: {  	v4 =	vadd.f32 v4, v7  }
0x7f: {  	[tilespmem:s4+$0x11180] =	vst v3;
	s4 =	smov.u32 s18  }
0x80: {  	[tilespmem:s19+$0x11000] =	vst v4  }
.Ltmp0:
0x81: {  	v3 =	vld [tilespmem:s4+$0x5100];
	(pc) =	sbr.rel @p1 .LBB2_3-.Ltmp0, $4  }
0x82: {  	v4 =	vld [tilespmem:s4+$0x5180]  }
0x83: {  	v6 =	vld [tilespmem:s4+$0x1080]  }
0x84: {  	v5 =	vld [tilespmem:s4+$0x1100]  }
0x85: {  	v7 =	vld [tilespmem:s4+$0x1280]  }
0x86: {  	v8 =	vld [tilespmem:s4+$0x1200]  }
0x87: {  	v9 =	vld [tilespmem:s4+$0x1000]  }
0x88: {  	v10 =	vld [tilespmem:s4+$0x1180];
	_ =	sdelay $0x1  }
0x89: {  	v11 =	vld [tilespmem:s4+$0x5080]  }
0x8a: {  	v12 =	vld [tilespmem:s4+$0x5000];
	v7 =	vadd.f32 v7, v8  }
0x8b: {  	v55 =	vld [tilespmem:s4+$0x5280];
	v6 =	vadd.f32 v6, v9  }
0x8c: {  	v56 =	vld [tilespmem:s4+$0x5200];
	v5 =	vadd.f32 v10, v5;
	[tilespmem:s4+$0x11100] =	vst v7  }
0x8d: {  	v57 =	vld [tilespmem:s4+$0x5380];
	[tilespmem:s4+$0x11000] =	vst v6  }
0x8e: {  	v58 =	vld [tilespmem:s4+$0x1300];
	s13 =	sor.u32 $0x380, s13;
	[tilespmem:s4+$0x11080] =	vst v5  }
0x8f: {  	v60 =	vld [tilespmem:s13+$0x1000]  }
0x90: {  	v61 =	vld [tilespmem:s4+$0x5300]  }
0x91: {  	v59 =	vadd.f32 v11, v12  }
0x92: {  	v3 =	vadd.f32 v4, v3  }
0x93: {  	p1 =	sne.s32 s1, $0xF;
	v62 =	vadd.f32 v55, v56;
	[tilespmem:s4+$0x11200] =	vst v59  }
.Ltmp1:
0x94: {  	[tilespmem:s4+$0x11280] =	vst v3;
	v3 =	vadd.f32 v60, v58;
	(pc) =	sbr.rel @p1 .LBB2_6-.Ltmp1, $4  }
0x95: {  	v63 =	vadd.f32 v57, v61;
	[tilespmem:s4+$0x11300] =	vst v62  }
0x96: {  	s19 =	sshll.u32 s1, $0xC;
	[tilespmem:s4+$0x11180] =	vst v3  }
0x97: {  	s4 =	sadd.s32 s19, s12;
	[tilespmem:s13+$0x11000] =	vst v63  }
0x98: {  	[hbm4b:s4+s2] =	stream.linear.scatter [tilespmem:s28], [sflag:$0x3], $0x4000, $0x38;
	[tilespmem:$0x19000] =	vst v63  }
.Ltmp2:
0x99: {  	(pc) =	sbr.rel .LBB2_7-.Ltmp2, $4  }
0x9a: {  	_ = 	snop  }
0x9b: {  	_ =	swait.ge [sflag:s29], $0x8000  }
0x9c: {  	[sflag:s29] =	ssyncset.done $0x0  }
0x9d: {  	[sflag:s29] =	ssyncadd.s32 $0xFFFF8000  }
.LBB2_6:
0x9e: {  	s4 =	sshll.u32 s1, $0x8  }
0x9f: {  	s4 =	sand.u32 $0x3FFFFF00, s4  }
0xa0: {  	v3 =	vld [tilespmem:s4+$0x100];
	_ =	sdelay $0x4  }
0xa1: {  	v4 =	vshll.u32 v3, $0x4  }
0xa2: {  	v3 =	vand.u32 $0x7, v3;
	v4 =	vand.u32 $0xFFFFFF80, v4  }
0xa3: {  	v3 =	vor.u32 v3, v4  }
0xa4: {  	v4 =	vperm.xlane v3, v0;
	_ =	sdelay $0x1  }
0xa5: {  	v4 =	vadd.s32 v1, v4;
	_ =	sdelay $0x3  }
0xa6: {  	s18 =	simm.s32 $0x1000  }
0xa7: {  	[tilespmem:s18], [sflag:$0x1] =	stream.indirect_vreg.gather [hbm4b:s3+s2], $0x80, v4, vm0, $0xb8;
	[tilespmem:$0x19000] =	vst v63  }
0xa8: {  	s19 =	simm.s32 $0x1800  }
0xa9: {  	[tilespmem:s19], [sflag:$0x1] =	stream.indirect_vreg.gather [hbm4b:s5+s2], $0x80, v4, vm0, $0xb8;
	[tilespmem:$0x19000] =	vst v63  }
0xaa: {  	s13 =	simm.s32 $0x2000  }
0xab: {  	[tilespmem:s13], [sflag:$0x1] =	stream.indirect_vreg.gather [hbm4b:s6+s2], $0x80, v4, vm0, $0xb8;
	[tilespmem:$0x19000] =	vst v63  }
0xac: {  	s14 =	simm.s32 $0x2800  }
0xad: {  	[tilespmem:s14], [sflag:$0x1] =	stream.indirect_vreg.gather [hbm4b:s7+s2], $0x80, v4, vm0, $0xb8;
	[tilespmem:$0x19000] =	vst v63  }
0xae: {  	s15 =	simm.s32 $0x3000  }
0xaf: {  	[tilespmem:s15], [sflag:$0x1] =	stream.indirect_vreg.gather [hbm4b:s8+s2], $0x80, v4, vm0, $0xb8;
	[tilespmem:$0x19000] =	vst v63  }
0xb0: {  	s16 =	simm.s32 $0x3800;
	v3 =	vperm.xlane v3, v2  }
0xb1: {  	[tilespmem:s16], [sflag:$0x1] =	stream.indirect_vreg.gather [hbm4b:s9+s2], $0x80, v4, vm0, $0xb8;
	[tilespmem:$0x19000] =	vst v63  }
0xb2: {  	s17 =	simm.s32 $0x4000;
	v3 =	vadd.s32 v1, v3  }
0xb3: {  	[tilespmem:s17], [sflag:$0x1] =	stream.indirect_vreg.gather [hbm4b:s10+s2], $0x80, v4, vm0, $0xb8;
	[tilespmem:$0x19000] =	vst v63  }
0xb4: {  	s18 =	simm.s32 $0x4800  }
0xb5: {  	[tilespmem:s18], [sflag:$0x1] =	stream.indirect_vreg.gather [hbm4b:s11+s2], $0x80, v4, vm0, $0xb8;
	[tilespmem:$0x19000] =	vst v63  }
0xb6: {  	s19 =	simm.s32 $0x5000  }
0xb7: {  	[tilespmem:s19], [sflag:$0x1] =	stream.indirect_vreg.gather [hbm4b:s3+s2], $0x80, v3, vm0, $0xb8;
	[tilespmem:$0x19000] =	vst v63  }
0xb8: {  	s13 =	simm.s32 $0x5800  }
0xb9: {  	[tilespmem:s13], [sflag:$0x1] =	stream.indirect_vreg.gather [hbm4b:s5+s2], $0x80, v3, vm0, $0xb8;
	[tilespmem:$0x19000] =	vst v63  }
0xba: {  	s14 =	simm.s32 $0x6000  }
0xbb: {  	[tilespmem:s14], [sflag:$0x1] =	stream.indirect_vreg.gather [hbm4b:s6+s2], $0x80, v3, vm0, $0xb8;
	[tilespmem:$0x19000] =	vst v63  }
0xbc: {  	s15 =	simm.s32 $0x6800  }
0xbd: {  	[tilespmem:s15], [sflag:$0x1] =	stream.indirect_vreg.gather [hbm4b:s7+s2], $0x80, v3, vm0, $0xb8;
	[tilespmem:$0x19000] =	vst v63  }
0xbe: {  	s16 =	simm.s32 $0x7000  }
0xbf: {  	[tilespmem:s16], [sflag:$0x1] =	stream.indirect_vreg.gather [hbm4b:s8+s2], $0x80, v3, vm0, $0xb8;
	[tilespmem:$0x19000] =	vst v63  }
0xc0: {  	s17 =	simm.s32 $0x7800  }
0xc1: {  	[tilespmem:s17], [sflag:$0x1] =	stream.indirect_vreg.gather [hbm4b:s9+s2], $0x80, v3, vm0, $0xb8;
	[tilespmem:$0x19000] =	vst v63  }
0xc2: {  	s18 =	simm.s32 $0x8000  }
0xc3: {  	[tilespmem:s18], [sflag:$0x1] =	stream.indirect_vreg.gather [hbm4b:s10+s2], $0x80, v3, vm0, $0xb8;
	[tilespmem:$0x19000] =	vst v63  }
.Ltmp3:
0xc4: {  	s19 =	simm.s32 $0x8800;
	(pc) =	sbr.rel @p0 .LBB2_8-.Ltmp3, $4  }
0xc5: {  	[tilespmem:s19], [sflag:$0x1] =	stream.indirect_vreg.gather [hbm4b:s11+s2], $0x80, v3, vm0, $0xb8;
	[tilespmem:$0x19000] =	vst v63  }
0xc6: {  	_ =	swait.ge [sflag:s29], $0x8000  }
0xc7: {  	[sflag:s29] =	ssyncset.done $0x0  }
0xc8: {  	[sflag:s29] =	ssyncadd.s32 $0xFFFF8000  }
.LBB2_7:
0xc9: {  	_ =	swait.ge [sflag:s30], $0x4000  }
0xca: {  	[sflag:s30] =	ssyncset.done $0x0  }
0xcb: {  	[sflag:s30] =	ssyncadd.s32 $0xFFFFC000  }
.LBB2_8:
0xcc: {  	s14 =	simm.s32 $0x0  }
0xcd: {  	s4 =	sand.u32 $0x70, s14;
	s13 =	sand.u32 $0x3C00, s14  }
0xce: {  	s4 =	sor.u32 s4, s13  }
0xcf: {  	v3 =	vld [tilespmem:s4+$0xD100]  }
0xd0: {  	v4 =	vld [tilespmem:s4+$0xD180]  }
0xd1: {  	s19 =	sand.u32 $0x7, s14;
	v6 =	vld [tilespmem:s4+$0x9080]  }
0xd2: {  	s13 =	sshll.u32 s19, $0x4;
	v5 =	vld [tilespmem:s4+$0x9100]  }
0xd3: {  	s15 =	simm.s32 $0x10;
	s16 =	simm.s32 $0x0;
	s13 =	sadd.s32 $0x0, s13;
	v7 =	vld [tilespmem:s4+$0x9280]  }
.LBB2_9:
0xd4: {  	p0 =	sne.s32 s15, $0x7F0;
	v8 =	vld [tilespmem:s4+$0x9200];
	s14 =	sadd.s32 $0x80, s14;
	s16 =	sadd.s32 $0x1, s16  }
0xd5: {  	s18 =	smov.u32 s15;
	s15 =	sadd.s32 $0x10, s15;
	s17 =	sand.u32 $0x7, s16;
	v9 =	vld [tilespmem:s4+$0x9000]  }
0xd6: {  	s17 =	sshll.u32 s17, $0x4;
	v10 =	vld [tilespmem:s4+$0x9180]  }
0xd7: {  	s17 =	sadd.s32 s17, s14;
	v11 =	vld [tilespmem:s4+$0xD080]  }
0xd8: {  	v3 =	vadd.f32 v4, v3;
	v12 =	vld [tilespmem:s4+$0xD000]  }
0xd9: {  	v4 =	vadd.f32 v7, v8;
	v7 =	vld [tilespmem:s4+$0xD280]  }
0xda: {  	s18 =	sand.u32 $0x70, s18;
	s19 =	sand.u32 $0x3C00, s14;
	v6 =	vadd.f32 v6, v9;
	v8 =	vld [tilespmem:s4+$0xD200]  }
0xdb: {  	s18 =	sor.u32 s18, s19;
	v5 =	vadd.f32 v10, v5;
	[tilespmem:s4+$0x15100] =	vst v4  }
0xdc: {  	[tilespmem:s4+$0x15000] =	vst v6;
	v4 =	vld [tilespmem:s4+$0xD380]  }
0xdd: {  	s19 =	sor.u32 $0x380, s13;
	s13 =	smov.u32 s17;
	[tilespmem:s4+$0x15080] =	vst v5;
	v5 =	vld [tilespmem:s4+$0x9300];
	v6 =	vadd.f32 v11, v12  }
0xde: {  	v9 =	vld [tilespmem:s19+$0x9000]  }
0xdf: {  	[tilespmem:s4+$0x15200] =	vst v6;
	v6 =	vadd.f32 v7, v8;
	v7 =	vld [tilespmem:s4+$0xD300]  }
0xe0: {  	[tilespmem:s4+$0x15280] =	vst v3  }
0xe1: {  	[tilespmem:s4+$0x15300] =	vst v6;
	_ =	sdelay $0x1  }
0xe2: {  	v3 =	vadd.f32 v9, v5  }
0xe3: {  	v4 =	vadd.f32 v4, v7  }
0xe4: {  	[tilespmem:s4+$0x15180] =	vst v3;
	s4 =	smov.u32 s18  }
0xe5: {  	[tilespmem:s19+$0x15000] =	vst v4  }
.Ltmp4:
0xe6: {  	v3 =	vld [tilespmem:s4+$0xD100];
	(pc) =	sbr.rel @p0 .LBB2_9-.Ltmp4, $4  }
0xe7: {  	v4 =	vld [tilespmem:s4+$0xD180]  }
0xe8: {  	v6 =	vld [tilespmem:s4+$0x9080]  }
0xe9: {  	v5 =	vld [tilespmem:s4+$0x9100]  }
0xea: {  	v7 =	vld [tilespmem:s4+$0x9280]  }
0xeb: {  	v8 =	vld [tilespmem:s4+$0x9200]  }
0xec: {  	v9 =	vld [tilespmem:s4+$0x9000]  }
0xed: {  	v10 =	vld [tilespmem:s4+$0x9180];
	_ =	sdelay $0x1  }
0xee: {  	v11 =	vld [tilespmem:s4+$0xD080]  }
0xef: {  	v12 =	vld [tilespmem:s4+$0xD000];
	v7 =	vadd.f32 v7, v8  }
0xf0: {  	v55 =	vld [tilespmem:s4+$0xD280];
	v6 =	vadd.f32 v6, v9  }
0xf1: {  	v56 =	vld [tilespmem:s4+$0xD200];
	v5 =	vadd.f32 v10, v5;
	[tilespmem:s4+$0x15100] =	vst v7  }
0xf2: {  	v57 =	vld [tilespmem:s4+$0xD380];
	[tilespmem:s4+$0x15000] =	vst v6  }
0xf3: {  	v58 =	vld [tilespmem:s4+$0x9300];
	s13 =	sor.u32 $0x380, s13;
	[tilespmem:s4+$0x15080] =	vst v5  }
0xf4: {  	v60 =	vld [tilespmem:s13+$0x9000]  }
0xf5: {  	v61 =	vld [tilespmem:s4+$0xD300]  }
0xf6: {  	v59 =	vadd.f32 v11, v12  }
0xf7: {  	s1 =	sadd.s32 $0x1, s1;
	v3 =	vadd.f32 v4, v3  }
0xf8: {  	p0 =	sne.s32 s1, $0x10;
	v62 =	vadd.f32 v55, v56;
	[tilespmem:s4+$0x15200] =	vst v59  }
.Ltmp5:
0xf9: {  	[tilespmem:s4+$0x15280] =	vst v3;
	v3 =	vadd.f32 v60, v58;
	(pc) =	sbr.rel @p0 .LBB2_2-.Ltmp5, $4  }
0xfa: {  	v63 =	vadd.f32 v57, v61;
	[tilespmem:s4+$0x15300] =	vst v62  }
0xfb: {  	s0 =	sshll.u32 s0, $0xB;
	[tilespmem:s4+$0x15180] =	vst v3  }
0xfc: {  	s0 =	sadd.s32 s0, s12;
	[tilespmem:s13+$0x15000] =	vst v63  }
0xfd: {  	[hbm4b:s0+s2] =	stream.linear.scatter [tilespmem:s31], [sflag:$0x4], $0x4000, $0x38;
	[tilespmem:$0x19000] =	vst v63  }
0xfe: {  	s0 =	simm.s32 $0x3  }
0xff: {  	_ =	swait.ge [sflag:s0], $0x4000  }
0x100: {  	[sflag:s0] =	ssyncset.done $0x0  }
0x101: {  	[sflag:s0] =	ssyncadd.s32 $0xFFFFC000  }
0x102: {  	_ =	swait.ge [sflag:s30], $0x4000  }
0x103: {  	s1 =	rddreg [dreg:$0x5]  }
0x104: {  	s19 =	rddreg [dreg:$0x4];
	s1 =	sadd.s32 $0x1, s1  }
0x105: {  	p0 =	sne.s32 s1, s19  }
.Ltmp6:
0x106: {  	_ = 	snop;
	(pc) =	sbr.rel @p0 .LBB2_1-.Ltmp6, $3  }
0x107: {  	_ =	sdelay $0x1  }
0x108: {  	[sflag:s30] =	ssyncset.done $0x0  }
0x109: {  	[sflag:s30] =	ssyncadd.s32 $0xFFFFC000  }
0x10a: {  	_ =	sfence.sel $0x180000  }
0x10b: {  	[bflag:$0x0] =	sbarrier.arrive $0xFFFF  }
0x10c: {  	_ =	strace $0x9000004A  }
0x10d: {  	s0 =	stileid.u32;
	[bflag:$0x2] =	sbarrier.arrive $0xFFFF  }
0x10e: {  	p0 =	sne.s32 s0, $0x0;
	s0 =	rddreg [dreg:$0x2]  }
0x10f: {  	s0 =	sadd.s32 @!p0 $0x100000, s0  }
0x110: {  	[sflag:s0] =	ssyncadd.tile.s32 @!p0 $0x1;
	_ =	shalt  }
.Lfunc_end2:
_tile_overlayer_lowered:
.L_overlay_start_2:
0x111: {  	(tag) =	ssettag $0x2  }
0x112: {  	s0 =	rddreg [dreg:$0x0];
	s2 =	stileid.u32  }
0x113: {  	s1 =	rddreg [dreg:$0x1];
	p0 =	sne.s32 s2, $0x0  }
0x114: {  	s3 =	rddreg [dreg:$0x2];
	[bflag:$0x3] =	sbarrier.arrive $0xFFFF;
	s2 =	simm.s32 @!p0 $0x1C05  }
0x115: {  	[timem:s3], [sflag:s2] =	dma.local @!p0 [hbm:s0], s1  }
0x116: {  	s0 =	simm.s32 @!p0 $0x5  }
0x117: {  	_ =	swait.ge @!p0 [sflag:s0], s1  }
0x118: {  	s1 =	ssub.s32 @!p0 $0x0, s1;
	[sflag:s0] =	ssyncset.done @!p0 $0x0  }
0x119: {  	[sflag:s0] =	ssyncadd.s32 @!p0 s1  }
0x11a: {  	[bflag:$0x3] =	sbarrier.arrive $0xFFFF  }
0x11b: {  	_ =	shalt  }

</sc_bundles>
